<compile_context>
chip_gen: v7x
topology: tpu7x:2x2x1
jax: 0.10.2.dev20260603
libtpu: 0.0.44.dev20260713+nightly
codegen_flags: <defaults>
</compile_context>

<pallas_src>
import functools

import jax
import jax.numpy as jnp
from jax import lax
from jax.experimental import pallas as pl
from jax.experimental.pallas import tpu as pltpu
from jax.experimental.pallas import tpu_sc as plsc

_NUM_CORES = 2
_NUM_SUBCORES = 16
_NUM_WORKERS = _NUM_CORES * _NUM_SUBCORES
_LANES = 16


def _detile(tableT):
    D, V = tableT.shape
    BM = 16384
    grid = (V + BM - 1) // BM

    def body(t_ref, o_ref):
        o_ref[:, 0:D] = lax.transpose(t_ref[...], (1, 0))

    return pl.pallas_call(
        body,
        grid=(grid,),
        in_specs=[pl.BlockSpec((D, BM), lambda i: (0, i))],
        out_specs=pl.BlockSpec((BM, 2 * D), lambda i: (i, 0)),
        out_shape=jax.ShapeDtypeStruct((V, 2 * D), jnp.float32),
    )(tableT)


def _embed_bag_mean(text2, table2, B, BAG, D):
    npair = B // 2
    assert npair % _NUM_WORKERS == 0
    ppw = npair // _NUM_WORKERS
    bpw = 2 * ppw
    nch = D // _LANES
    PB = 2 * BAG

    mesh = plsc.VectorSubcoreMesh(core_axis_name="c", subcore_axis_name="s")

    @functools.partial(
        pl.kernel,
        out_type=jax.ShapeDtypeStruct((B, D), jnp.float32),
        mesh=mesh,
        scratch_types=[
            pltpu.VMEM((ppw, PB), jnp.int32),
            pltpu.VMEM((PB, 2 * D), jnp.float32),
            pltpu.VMEM((PB, 2 * D), jnp.float32),
            pltpu.VMEM((bpw, D), jnp.float32),
            pltpu.SemaphoreType.DMA,
            pltpu.SemaphoreType.DMA,
        ],
    )
    def k(text_hbm, table_hbm, out_hbm, idx_v, rows0, rows1, out_v, sem0, sem1):
        wid = lax.axis_index("s") * _NUM_CORES + lax.axis_index("c")
        base = wid * ppw
        pltpu.sync_copy(text_hbm.at[pl.ds(base, ppw)], idx_v)

        scale = jnp.float32(1.0 / BAG)

        def accum(p, rows_v):
            def j_body(t, accs):
                new = list(accs)
                for u in range(2):
                    j = 2 * t + u
                    for h in range(2):
                        for c in range(nch):
                            new[h * nch + c] = (
                                new[h * nch + c]
                                + rows_v[h * BAG + j, pl.ds(c * _LANES, _LANES)]
                            )
                return tuple(new)

            accs = lax.fori_loop(
                0, BAG // 2, j_body,
                tuple(jnp.zeros((_LANES,), jnp.float32) for _ in range(2 * nch)),
            )
            for h in range(2):
                for c in range(nch):
                    out_v[2 * p + h, pl.ds(c * _LANES, _LANES)] = (
                        accs[h * nch + c] * scale
                    )

        pltpu.async_copy(table_hbm.at[idx_v.at[0]], rows0, sem0)
        pltpu.async_copy(table_hbm.at[idx_v.at[1]], rows1, sem1)

        def pair_body(i, carry):
            p0 = 2 * i
            pltpu.make_async_copy(table_hbm.at[idx_v.at[p0]], rows0, sem0).wait()
            accum(p0, rows0)

            @pl.when(i < ppw // 2 - 1)
            def _():
                pltpu.async_copy(table_hbm.at[idx_v.at[p0 + 2]], rows0, sem0)

            p1 = p0 + 1
            pltpu.make_async_copy(table_hbm.at[idx_v.at[p1]], rows1, sem1).wait()
            accum(p1, rows1)

            @pl.when(i < ppw // 2 - 1)
            def _():
                pltpu.async_copy(table_hbm.at[idx_v.at[p1 + 2]], rows1, sem1)

            return carry

        lax.fori_loop(0, ppw // 2, pair_body, 0)
        pltpu.sync_copy(out_v, out_hbm.at[pl.ds(wid * bpw, bpw)])

    return k(text2, table2)


def _mlp(x, W1, b1, W2, b2):
    B, D = x.shape
    C = W2.shape[0]
    BM = 512
    assert B % BM == 0

    def body(x_ref, w1_ref, b1_ref, w2_ref, b2_ref, o_ref):
        h = lax.dot_general(
            x_ref[...], w1_ref[...], (((1,), (1,)), ((), ())),
            preferred_element_type=jnp.float32,
        )
        h = jnp.maximum(h + b1_ref[...], 0.0)
        o_ref[...] = lax.dot_general(
            h, w2_ref[...], (((1,), (1,)), ((), ())),
            preferred_element_type=jnp.float32,
        ) + b2_ref[...]

    return pl.pallas_call(
        body,
        grid=(B // BM,),
        in_specs=[
            pl.BlockSpec((BM, D), lambda i: (i, 0)),
            pl.BlockSpec((D, D), lambda i: (0, 0)),
            pl.BlockSpec((1, D), lambda i: (0, 0)),
            pl.BlockSpec((C, D), lambda i: (0, 0)),
            pl.BlockSpec((1, C), lambda i: (0, 0)),
        ],
        out_specs=pl.BlockSpec((BM, C), lambda i: (i, 0)),
        out_shape=jax.ShapeDtypeStruct((B, C), jnp.float32),
    )(x, W1, b1.reshape(1, D), W2, b2.reshape(1, C))


def kernel(text, offsets, table, W1, b1, W2, b2):
    del offsets
    B, BAG = text.shape
    D = table.shape[1]
    table2 = _detile(table.T)
    text2 = text.reshape(B // 2, 2 * BAG)
    pooled = _embed_bag_mean(text2, table2, B, BAG, D)
    return _mlp(pooled, W1, b1, W2, b2)

# --- scband reference (transcript-rebuilt; emitter-appended) ---
"""Pipeline reference for scband-text-classification-model-21363167330537 (READ-ONLY COPY).

The authoritative reference and input builder live on the scoring server;
editing this copy changes nothing except your own understanding.
"""

import jax, jax.numpy as jnp
import numpy as np

VOCAB = 1000000
EMBED_DIM = 64
NUM_CLASS = 128
BATCH = 4096
BAG = 50

def setup_inputs(seed: int = 0) -> dict:
    key = jax.random.key(seed)
    k1, k2, k3, k4, k5, k6, k7 = jax.random.split(key, 7)
    text = jax.random.randint(k1, (BATCH, BAG), 0, VOCAB, dtype=jnp.int64 if jax.config.jax_enable_x64 else jnp.int32).astype(jnp.int32)
    offsets = jax.random.randint(k2, (BATCH,), 0, 1).astype(jnp.int32)
    initrange = 0.5
    table = jax.random.uniform(k3, (VOCAB, EMBED_DIM), dtype=jnp.float32, minval=-initrange, maxval=initrange)
    W1 = jax.random.uniform(k4, (EMBED_DIM, EMBED_DIM), dtype=jnp.float32, minval=-initrange, maxval=initrange)
    b1 = jnp.zeros((EMBED_DIM,), dtype=jnp.float32)
    W2 = jax.random.uniform(k5, (NUM_CLASS, EMBED_DIM), dtype=jnp.float32, minval=-initrange, maxval=initrange)
    b2 = jnp.zeros((NUM_CLASS,), dtype=jnp.float32)
    return {"text": text, "offsets": offsets, "table": table, "W1": W1, "b1": b1, "W2": W2, "b2": b2}

def reference(text, offsets, table, W1, b1, W2, b2):
    # text is 2D -> torch EmbeddingBag ignores offsets, mean-pools each row (mode='mean' default)
    embedded = jnp.take(table, text, axis=0).mean(axis=1)  # [B, D]
    h = jax.nn.relu(embedded @ W1.T + b1)
    out = h @ W2.T + b2
    return out

if __name__ == "__main__":
    import jax
    _d = setup_inputs()
    print(jax.jit(kernel)(*tuple(_d.values())))

</pallas_src>

<mosaic_0001>
#map = affine_map<(d0, d1) -> (0, 0)>
module attributes {stable_mosaic.version = 14 : i64} {
  func.func @k(%arg0: i32, %arg1: i32, %arg2: memref<2048x100xi32, #tpu.memory_space<hbm>>, %arg3: memref<1000000x128xf32, #tpu.memory_space<hbm>>, %arg4: memref<4096x64xf32, #tpu.memory_space<hbm>>, %arg5: memref<64x100xi32, #tpu.memory_space<vmem>>, %arg6: memref<100x128xf32, #tpu.memory_space<vmem>>, %arg7: memref<100x128xf32, #tpu.memory_space<vmem>>, %arg8: memref<128x64xf32, #tpu.memory_space<vmem>>, %arg9: memref<!tpu.dma_semaphore, #tpu.memory_space<semaphore_mem>>, %arg10: memref<!tpu.dma_semaphore, #tpu.memory_space<semaphore_mem>>) attributes {dimension_semantics = [#tpu.dimension_semantics<core_parallel>, #tpu.dimension_semantics<subcore_parallel>], iteration_bounds = array<i64: 2, 16>, scalar_prefetch = 0 : i64, scratch_operands = 6 : i64, tpu.core_type = #tpu.core_type<sc_vector_subcore>, window_params = [{transform_indices = #map}, {transform_indices = #map}, {transform_indices = #map}]} {
    %mul3A = arith.constant 2 : i32
    %mul3A_0 = arith.muli %arg1, %mul3A : i32
    %add3A = arith.addi %mul3A_0, %arg0 : i32
    %mul3A_1 = arith.constant 64 : i32
    %mul3A_2 = arith.muli %add3A, %mul3A_1 : i32
    "tpu.region"() ({
      %run_scoped3A = tpu.sem_alloc : memref<!tpu.dma_semaphore, #tpu.memory_space<semaphore_mem>>
      %dma_start3A_24 = arith.constant 0 : i32
      %dma_start3A_25 = tpu.memref_slice %arg2[%mul3A_2, %dma_start3A_24] : memref<2048x100xi32, #tpu.memory_space<hbm>> -> memref<64x100xi32, #tpu.memory_space<hbm>>
      %dma_start3A_26 = arith.constant 0 : i32
      %dma_start3A_27 = tpu.memref_slice %arg2[%mul3A_2, %dma_start3A_26] : memref<2048x100xi32, #tpu.memory_space<hbm>> -> memref<64x100xi32, #tpu.memory_space<hbm>>
      tpu.enqueue_dma source(%dma_start3A_27 : memref<64x100xi32, #tpu.memory_space<hbm>>) target(%arg5 : memref<64x100xi32, #tpu.memory_space<vmem>>) target_semaphore(%run_scoped3A : memref<!tpu.dma_semaphore, #tpu.memory_space<semaphore_mem>>)
      %dma_wait3A = arith.constant 0 : i32
      %dma_wait3A_28 = tpu.memref_slice %arg2[%mul3A_2, %dma_wait3A] : memref<2048x100xi32, #tpu.memory_space<hbm>> -> memref<64x100xi32, #tpu.memory_space<hbm>>
      %dma_wait3A_29 = arith.constant 0 : i32
      %dma_wait3A_30 = tpu.memref_slice %arg2[%mul3A_2, %dma_wait3A_29] : memref<2048x100xi32, #tpu.memory_space<hbm>> -> memref<64x100xi32, #tpu.memory_space<hbm>>
      tpu.wait_dma2 semaphore(%run_scoped3A : memref<!tpu.dma_semaphore, #tpu.memory_space<semaphore_mem>>) src(%dma_wait3A_30 : memref<64x100xi32, #tpu.memory_space<hbm>>) dst(%arg5 : memref<64x100xi32, #tpu.memory_space<vmem>>)
      tpu.yield
    }) : () -> ()
    %dma_start3A = arith.constant 0 : i32
    %dma_start3A_3 = arith.constant 0 : i32
    %dma_start3A_4 = tpu.memref_slice %arg5[%dma_start3A, %dma_start3A_3] : memref<64x100xi32, #tpu.memory_space<vmem>> -> memref<1x100xi32, #tpu.memory_space<vmem>>
    %dma_start3A_5 = tpu.memref_squeeze %dma_start3A_4 : memref<1x100xi32, #tpu.memory_space<vmem>> -> memref<100xi32, #tpu.memory_space<vmem>>
    %dma_start3A_6 = arith.constant 0 : i32
    %dma_start3A_7 = arith.constant 0 : i32
    %dma_start3A_8 = tpu.memref_slice %arg3[%dma_start3A_6, %dma_start3A_7] : memref<1000000x128xf32, #tpu.memory_space<hbm>> -> memref<1000000x128xf32, #tpu.memory_space<hbm>>
    tpu.enqueue_indirect_dma source(%dma_start3A_8 : memref<1000000x128xf32, #tpu.memory_space<hbm>>) target(%arg6 : memref<100x128xf32, #tpu.memory_space<vmem>>) offsets(%dma_start3A_5 : memref<100xi32, #tpu.memory_space<vmem>>) semaphore(%arg9 : memref<!tpu.dma_semaphore, #tpu.memory_space<semaphore_mem>>)
    %dma_start3A_9 = arith.constant 1 : i32
    %dma_start3A_10 = arith.constant 0 : i32
    %dma_start3A_11 = tpu.memref_slice %arg5[%dma_start3A_9, %dma_start3A_10] : memref<64x100xi32, #tpu.memory_space<vmem>> -> memref<1x100xi32, #tpu.memory_space<vmem>>
    %dma_start3A_12 = tpu.memref_squeeze %dma_start3A_11 : memref<1x100xi32, #tpu.memory_space<vmem>> -> memref<100xi32, #tpu.memory_space<vmem>>
    %dma_start3A_13 = arith.constant 0 : i32
    %dma_start3A_14 = arith.constant 0 : i32
    %dma_start3A_15 = tpu.memref_slice %arg3[%dma_start3A_13, %dma_start3A_14] : memref<1000000x128xf32, #tpu.memory_space<hbm>> -> memref<1000000x128xf32, #tpu.memory_space<hbm>>
    tpu.enqueue_indirect_dma source(%dma_start3A_15 : memref<1000000x128xf32, #tpu.memory_space<hbm>>) target(%arg7 : memref<100x128xf32, #tpu.memory_space<vmem>>) offsets(%dma_start3A_12 : memref<100xi32, #tpu.memory_space<vmem>>) semaphore(%arg10 : memref<!tpu.dma_semaphore, #tpu.memory_space<semaphore_mem>>)
    %scan3A = arith.constant 0 : i32
    %scan3A_16 = arith.constant 2.000000e-02 : f32
    %scan3A_17 = arith.constant 0 : i32
    %scan3A_18 = arith.constant 32 : i32
    %scan3A_19 = arith.addi %scan3A_17, %scan3A_18 : i32
    %scan3A_20 = arith.constant 1 : i32
    scf.for %scan3A_24 = %scan3A_17 to %scan3A_19 step %scan3A_20  : i32 {
      %mul3A_25 = arith.constant 2 : i32
      %mul3A_26 = arith.muli %mul3A_25, %scan3A_24 : i32
      %dma_wait3A = arith.constant 0 : i32
      %dma_wait3A_27 = tpu.memref_slice %arg5[%mul3A_26, %dma_wait3A] : memref<64x100xi32, #tpu.memory_space<vmem>> -> memref<1x100xi32, #tpu.memory_space<vmem>>
      %dma_wait3A_28 = tpu.memref_squeeze %dma_wait3A_27 : memref<1x100xi32, #tpu.memory_space<vmem>> -> memref<100xi32, #tpu.memory_space<vmem>>
      %dma_wait3A_29 = arith.constant 0 : i32
      %dma_wait3A_30 = arith.constant 0 : i32
      %dma_wait3A_31 = tpu.memref_slice %arg3[%dma_wait3A_29, %dma_wait3A_30] : memref<1000000x128xf32, #tpu.memory_space<hbm>> -> memref<1000000x128xf32, #tpu.memory_space<hbm>>
      tpu.wait_indirect_dma semaphore(%arg9 : memref<!tpu.dma_semaphore, #tpu.memory_space<semaphore_mem>>) src(%dma_wait3A_31 : memref<1000000x128xf32, #tpu.memory_space<hbm>>) dst(%arg6 : memref<100x128xf32, #tpu.memory_space<vmem>>)
      %broadcast_in_dim3A = arith.constant 0.000000e+00 : f32
      %broadcast_in_dim3A_32 = vector.broadcast %broadcast_in_dim3A : f32 to vector<16xf32>
      %broadcast_in_dim3A_33 = arith.constant 0.000000e+00 : f32
      %broadcast_in_dim3A_34 = vector.broadcast %broadcast_in_dim3A_33 : f32 to vector<16xf32>
      %broadcast_in_dim3A_35 = arith.constant 0.000000e+00 : f32
      %broadcast_in_dim3A_36 = vector.broadcast %broadcast_in_dim3A_35 : f32 to vector<16xf32>
      %broadcast_in_dim3A_37 = arith.constant 0.000000e+00 : f32
      %broadcast_in_dim3A_38 = vector.broadcast %broadcast_in_dim3A_37 : f32 to vector<16xf32>
      %broadcast_in_dim3A_39 = arith.constant 0.000000e+00 : f32
      %broadcast_in_dim3A_40 = vector.broadcast %broadcast_in_dim3A_39 : f32 to vector<16xf32>
      %broadcast_in_dim3A_41 = arith.constant 0.000000e+00 : f32
      %broadcast_in_dim3A_42 = vector.broadcast %broadcast_in_dim3A_41 : f32 to vector<16xf32>
      %broadcast_in_dim3A_43 = arith.constant 0.000000e+00 : f32
      %broadcast_in_dim3A_44 = vector.broadcast %broadcast_in_dim3A_43 : f32 to vector<16xf32>
      %broadcast_in_dim3A_45 = arith.constant 0.000000e+00 : f32
      %broadcast_in_dim3A_46 = vector.broadcast %broadcast_in_dim3A_45 : f32 to vector<16xf32>
      %scan3A_47 = arith.constant 0 : i32
      %scan3A_48 = arith.constant 25 : i32
      %scan3A_49 = arith.addi %scan3A_47, %scan3A_48 : i32
      %scan3A_50 = arith.constant 1 : i32
      %scan3A_51:8 = scf.for %scan3A_265 = %scan3A_47 to %scan3A_49 step %scan3A_50 iter_args(%scan3A_266 = %broadcast_in_dim3A_32, %scan3A_267 = %broadcast_in_dim3A_34, %scan3A_268 = %broadcast_in_dim3A_36, %scan3A_269 = %broadcast_in_dim3A_38, %scan3A_270 = %broadcast_in_dim3A_40, %scan3A_271 = %broadcast_in_dim3A_42, %scan3A_272 = %broadcast_in_dim3A_44, %scan3A_273 = %broadcast_in_dim3A_46) -> (vector<16xf32>, vector<16xf32>, vector<16xf32>, vector<16xf32>, vector<16xf32>, vector<16xf32>, vector<16xf32>, vector<16xf32>)  : i32 {
        %mul3A_274 = arith.constant 2 : i32
        %mul3A_275 = arith.muli %mul3A_274, %scan3A_265 : i32
        %add3A_276 = arith.constant 0 : i32
        %add3A_277 = arith.addi %mul3A_275, %add3A_276 : i32
        %add3A_278 = arith.constant 0 : i32
        %add3A_279 = arith.addi %add3A_278, %add3A_277 : i32
        %get3A = arith.index_cast %add3A_279 : i32 to index
        %get3A_280 = arith.constant 0 : index
        %get3A_281 = tpu.vector_load %arg6[%get3A, %get3A_280] {strides = array<i32>} : memref<100x128xf32, #tpu.memory_space<vmem>>, vector<1x16xf32>,
        %get3A_282 = vector.shape_cast %get3A_281 : vector<1x16xf32> to vector<16xf32>
        %add3A_283 = arith.addf %scan3A_266, %get3A_282 : vector<16xf32>
        %add3A_284 = arith.constant 0 : i32
        %add3A_285 = arith.addi %add3A_284, %add3A_277 : i32
        %get3A_286 = arith.index_cast %add3A_285 : i32 to index
        %get3A_287 = arith.constant 16 : index
        %get3A_288 = tpu.vector_load %arg6[%get3A_286, %get3A_287] {strides = array<i32>} : memref<100x128xf32, #tpu.memory_space<vmem>>, vector<1x16xf32>,
        %get3A_289 = vector.shape_cast %get3A_288 : vector<1x16xf32> to vector<16xf32>
        %add3A_290 = arith.addf %scan3A_267, %get3A_289 : vector<16xf32>
        %add3A_291 = arith.constant 0 : i32
        %add3A_292 = arith.addi %add3A_291, %add3A_277 : i32
        %get3A_293 = arith.index_cast %add3A_292 : i32 to index
        %get3A_294 = arith.constant 32 : index
        %get3A_295 = tpu.vector_load %arg6[%get3A_293, %get3A_294] {strides = array<i32>} : memref<100x128xf32, #tpu.memory_space<vmem>>, vector<1x16xf32>,
        %get3A_296 = vector.shape_cast %get3A_295 : vector<1x16xf32> to vector<16xf32>
        %add3A_297 = arith.addf %scan3A_268, %get3A_296 : vector<16xf32>
        %add3A_298 = arith.constant 0 : i32
        %add3A_299 = arith.addi %add3A_298, %add3A_277 : i32
        %get3A_300 = arith.index_cast %add3A_299 : i32 to index
        %get3A_301 = arith.constant 48 : index
        %get3A_302 = tpu.vector_load %arg6[%get3A_300, %get3A_301] {strides = array<i32>} : memref<100x128xf32, #tpu.memory_space<vmem>>, vector<1x16xf32>,
        %get3A_303 = vector.shape_cast %get3A_302 : vector<1x16xf32> to vector<16xf32>
        %add3A_304 = arith.addf %scan3A_269, %get3A_303 : vector<16xf32>
        %add3A_305 = arith.constant 50 : i32
        %add3A_306 = arith.addi %add3A_305, %add3A_277 : i32
        %get3A_307 = arith.index_cast %add3A_306 : i32 to index
        %get3A_308 = arith.constant 0 : index
        %get3A_309 = tpu.vector_load %arg6[%get3A_307, %get3A_308] {strides = array<i32>} : memref<100x128xf32, #tpu.memory_space<vmem>>, vector<1x16xf32>,
        %get3A_310 = vector.shape_cast %get3A_309 : vector<1x16xf32> to vector<16xf32>
        %add3A_311 = arith.addf %scan3A_270, %get3A_310 : vector<16xf32>
        %add3A_312 = arith.constant 50 : i32
        %add3A_313 = arith.addi %add3A_312, %add3A_277 : i32
        %get3A_314 = arith.index_cast %add3A_313 : i32 to index
        %get3A_315 = arith.constant 16 : index
        %get3A_316 = tpu.vector_load %arg6[%get3A_314, %get3A_315] {strides = array<i32>} : memref<100x128xf32, #tpu.memory_space<vmem>>, vector<1x16xf32>,
        %get3A_317 = vector.shape_cast %get3A_316 : vector<1x16xf32> to vector<16xf32>
        %add3A_318 = arith.addf %scan3A_271, %get3A_317 : vector<16xf32>
        %add3A_319 = arith.constant 50 : i32
        %add3A_320 = arith.addi %add3A_319, %add3A_277 : i32
        %get3A_321 = arith.index_cast %add3A_320 : i32 to index
        %get3A_322 = arith.constant 32 : index
        %get3A_323 = tpu.vector_load %arg6[%get3A_321, %get3A_322] {strides = array<i32>} : memref<100x128xf32, #tpu.memory_space<vmem>>, vector<1x16xf32>,
        %get3A_324 = vector.shape_cast %get3A_323 : vector<1x16xf32> to vector<16xf32>
        %add3A_325 = arith.addf %scan3A_272, %get3A_324 : vector<16xf32>
        %add3A_326 = arith.constant 50 : i32
        %add3A_327 = arith.addi %add3A_326, %add3A_277 : i32
        %get3A_328 = arith.index_cast %add3A_327 : i32 to index
        %get3A_329 = arith.constant 48 : index
        %get3A_330 = tpu.vector_load %arg6[%get3A_328, %get3A_329] {strides = array<i32>} : memref<100x128xf32, #tpu.memory_space<vmem>>, vector<1x16xf32>,
        %get3A_331 = vector.shape_cast %get3A_330 : vector<1x16xf32> to vector<16xf32>
        %add3A_332 = arith.addf %scan3A_273, %get3A_331 : vector<16xf32>
        %mul3A_333 = arith.constant 2 : i32
        %mul3A_334 = arith.muli %mul3A_333, %scan3A_265 : i32
        %add3A_335 = arith.constant 1 : i32
        %add3A_336 = arith.addi %mul3A_334, %add3A_335 : i32
        %add3A_337 = arith.constant 0 : i32
        %add3A_338 = arith.addi %add3A_337, %add3A_336 : i32
        %get3A_339 = arith.index_cast %add3A_338 : i32 to index
        %get3A_340 = arith.constant 0 : index
        %get3A_341 = tpu.vector_load %arg6[%get3A_339, %get3A_340] {strides = array<i32>} : memref<100x128xf32, #tpu.memory_space<vmem>>, vector<1x16xf32>,
        %get3A_342 = vector.shape_cast %get3A_341 : vector<1x16xf32> to vector<16xf32>
        %add3A_343 = arith.addf %add3A_283, %get3A_342 : vector<16xf32>
        %add3A_344 = arith.constant 0 : i32
        %add3A_345 = arith.addi %add3A_344, %add3A_336 : i32
        %get3A_346 = arith.index_cast %add3A_345 : i32 to index
        %get3A_347 = arith.constant 16 : index
        %get3A_348 = tpu.vector_load %arg6[%get3A_346, %get3A_347] {strides = array<i32>} : memref<100x128xf32, #tpu.memory_space<vmem>>, vector<1x16xf32>,
        %get3A_349 = vector.shape_cast %get3A_348 : vector<1x16xf32> to vector<16xf32>
        %add3A_350 = arith.addf %add3A_290, %get3A_349 : vector<16xf32>
        %add3A_351 = arith.constant 0 : i32
        %add3A_352 = arith.addi %add3A_351, %add3A_336 : i32
        %get3A_353 = arith.index_cast %add3A_352 : i32 to index
        %get3A_354 = arith.constant 32 : index
        %get3A_355 = tpu.vector_load %arg6[%get3A_353, %get3A_354] {strides = array<i32>} : memref<100x128xf32, #tpu.memory_space<vmem>>, vector<1x16xf32>,
        %get3A_356 = vector.shape_cast %get3A_355 : vector<1x16xf32> to vector<16xf32>
        %add3A_357 = arith.addf %add3A_297, %get3A_356 : vector<16xf32>
        %add3A_358 = arith.constant 0 : i32
        %add3A_359 = arith.addi %add3A_358, %add3A_336 : i32
        %get3A_360 = arith.index_cast %add3A_359 : i32 to index
        %get3A_361 = arith.constant 48 : index
        %get3A_362 = tpu.vector_load %arg6[%get3A_360, %get3A_361] {strides = array<i32>} : memref<100x128xf32, #tpu.memory_space<vmem>>, vector<1x16xf32>,
        %get3A_363 = vector.shape_cast %get3A_362 : vector<1x16xf32> to vector<16xf32>
        %add3A_364 = arith.addf %add3A_304, %get3A_363 : vector<16xf32>
        %add3A_365 = arith.constant 50 : i32
        %add3A_366 = arith.addi %add3A_365, %add3A_336 : i32
        %get3A_367 = arith.index_cast %add3A_366 : i32 to index
        %get3A_368 = arith.constant 0 : index
        %get3A_369 = tpu.vector_load %arg6[%get3A_367, %get3A_368] {strides = array<i32>} : memref<100x128xf32, #tpu.memory_space<vmem>>, vector<1x16xf32>,
        %get3A_370 = vector.shape_cast %get3A_369 : vector<1x16xf32> to vector<16xf32>
        %add3A_371 = arith.addf %add3A_311, %get3A_370 : vector<16xf32>
        %add3A_372 = arith.constant 50 : i32
        %add3A_373 = arith.addi %add3A_372, %add3A_336 : i32
        %get3A_374 = arith.index_cast %add3A_373 : i32 to index
        %get3A_375 = arith.constant 16 : index
        %get3A_376 = tpu.vector_load %arg6[%get3A_374, %get3A_375] {strides = array<i32>} : memref<100x128xf32, #tpu.memory_space<vmem>>, vector<1x16xf32>,
        %get3A_377 = vector.shape_cast %get3A_376 : vector<1x16xf32> to vector<16xf32>
        %add3A_378 = arith.addf %add3A_318, %get3A_377 : vector<16xf32>
        %add3A_379 = arith.constant 50 : i32
        %add3A_380 = arith.addi %add3A_379, %add3A_336 : i32
        %get3A_381 = arith.index_cast %add3A_380 : i32 to index
        %get3A_382 = arith.constant 32 : index
        %get3A_383 = tpu.vector_load %arg6[%get3A_381, %get3A_382] {strides = array<i32>} : memref<100x128xf32, #tpu.memory_space<vmem>>, vector<1x16xf32>,
        %get3A_384 = vector.shape_cast %get3A_383 : vector<1x16xf32> to vector<16xf32>
        %add3A_385 = arith.addf %add3A_325, %get3A_384 : vector<16xf32>
        %add3A_386 = arith.constant 50 : i32
        %add3A_387 = arith.addi %add3A_386, %add3A_336 : i32
        %get3A_388 = arith.index_cast %add3A_387 : i32 to index
        %get3A_389 = arith.constant 48 : index
        %get3A_390 = tpu.vector_load %arg6[%get3A_388, %get3A_389] {strides = array<i32>} : memref<100x128xf32, #tpu.memory_space<vmem>>, vector<1x16xf32>,
        %get3A_391 = vector.shape_cast %get3A_390 : vector<1x16xf32> to vector<16xf32>
        %add3A_392 = arith.addf %add3A_332, %get3A_391 : vector<16xf32>
        scf.yield %add3A_343, %add3A_350, %add3A_357, %add3A_364, %add3A_371, %add3A_378, %add3A_385, %add3A_392 : vector<16xf32>, vector<16xf32>, vector<16xf32>, vector<16xf32>, vector<16xf32>, vector<16xf32>, vector<16xf32>, vector<16xf32>
      }
      %scan3A_52 = arith.constant 25 : i32
      %mul3A_53 = vector.broadcast %scan3A_16 : f32 to vector<16xf32>
      %mul3A_54 = arith.mulf %scan3A_51#0, %mul3A_53 : vector<16xf32>
      %mul3A_55 = arith.constant 2 : i32
      %mul3A_56 = arith.muli %mul3A_55, %mul3A_26 : i32
      %add3A_57 = arith.constant 0 : i32
      %add3A_58 = arith.addi %mul3A_56, %add3A_57 : i32
      %swap3A = arith.index_cast %add3A_58 : i32 to index
      %swap3A_59 = arith.constant 0 : index
      %swap3A_60 = tpu.vector_load %arg8[%swap3A, %swap3A_59] {strides = array<i32>} : memref<128x64xf32, #tpu.memory_space<vmem>>, vector<1x16xf32>,
      %swap3A_61 = vector.shape_cast %swap3A_60 : vector<1x16xf32> to vector<16xf32>
      %swap3A_62 = vector.shape_cast %mul3A_54 : vector<16xf32> to vector<1x16xf32>
      tpu.vector_store %arg8[%swap3A, %swap3A_59], %swap3A_62 {strides = array<i32>} : memref<128x64xf32, #tpu.memory_space<vmem>>, vector<1x16xf32>,
      %mul3A_63 = vector.broadcast %scan3A_16 : f32 to vector<16xf32>
      %mul3A_64 = arith.mulf %scan3A_51#1, %mul3A_63 : vector<16xf32>
      %mul3A_65 = arith.constant 2 : i32
      %mul3A_66 = arith.muli %mul3A_65, %mul3A_26 : i32
      %add3A_67 = arith.constant 0 : i32
      %add3A_68 = arith.addi %mul3A_66, %add3A_67 : i32
      %swap3A_69 = arith.index_cast %add3A_68 : i32 to index
      %swap3A_70 = arith.constant 16 : index
      %swap3A_71 = tpu.vector_load %arg8[%swap3A_69, %swap3A_70] {strides = array<i32>} : memref<128x64xf32, #tpu.memory_space<vmem>>, vector<1x16xf32>,
      %swap3A_72 = vector.shape_cast %swap3A_71 : vector<1x16xf32> to vector<16xf32>
      %swap3A_73 = vector.shape_cast %mul3A_64 : vector<16xf32> to vector<1x16xf32>
      tpu.vector_store %arg8[%swap3A_69, %swap3A_70], %swap3A_73 {strides = array<i32>} : memref<128x64xf32, #tpu.memory_space<vmem>>, vector<1x16xf32>,
      %mul3A_74 = vector.broadcast %scan3A_16 : f32 to vector<16xf32>
      %mul3A_75 = arith.mulf %scan3A_51#2, %mul3A_74 : vector<16xf32>
      %mul3A_76 = arith.constant 2 : i32
      %mul3A_77 = arith.muli %mul3A_76, %mul3A_26 : i32
      %add3A_78 = arith.constant 0 : i32
      %add3A_79 = arith.addi %mul3A_77, %add3A_78 : i32
      %swap3A_80 = arith.index_cast %add3A_79 : i32 to index
      %swap3A_81 = arith.constant 32 : index
      %swap3A_82 = tpu.vector_load %arg8[%swap3A_80, %swap3A_81] {strides = array<i32>} : memref<128x64xf32, #tpu.memory_space<vmem>>, vector<1x16xf32>,
      %swap3A_83 = vector.shape_cast %swap3A_82 : vector<1x16xf32> to vector<16xf32>
      %swap3A_84 = vector.shape_cast %mul3A_75 : vector<16xf32> to vector<1x16xf32>
      tpu.vector_store %arg8[%swap3A_80, %swap3A_81], %swap3A_84 {strides = array<i32>} : memref<128x64xf32, #tpu.memory_space<vmem>>, vector<1x16xf32>,
      %mul3A_85 = vector.broadcast %scan3A_16 : f32 to vector<16xf32>
      %mul3A_86 = arith.mulf %scan3A_51#3, %mul3A_85 : vector<16xf32>
      %mul3A_87 = arith.constant 2 : i32
      %mul3A_88 = arith.muli %mul3A_87, %mul3A_26 : i32
      %add3A_89 = arith.constant 0 : i32
      %add3A_90 = arith.addi %mul3A_88, %add3A_89 : i32
      %swap3A_91 = arith.index_cast %add3A_90 : i32 to index
      %swap3A_92 = arith.constant 48 : index
      %swap3A_93 = tpu.vector_load %arg8[%swap3A_91, %swap3A_92] {strides = array<i32>} : memref<128x64xf32, #tpu.memory_space<vmem>>, vector<1x16xf32>,
      %swap3A_94 = vector.shape_cast %swap3A_93 : vector<1x16xf32> to vector<16xf32>
      %swap3A_95 = vector.shape_cast %mul3A_86 : vector<16xf32> to vector<1x16xf32>
      tpu.vector_store %arg8[%swap3A_91, %swap3A_92], %swap3A_95 {strides = array<i32>} : memref<128x64xf32, #tpu.memory_space<vmem>>, vector<1x16xf32>,
      %mul3A_96 = vector.broadcast %scan3A_16 : f32 to vector<16xf32>
      %mul3A_97 = arith.mulf %scan3A_51#4, %mul3A_96 : vector<16xf32>
      %mul3A_98 = arith.constant 2 : i32
      %mul3A_99 = arith.muli %mul3A_98, %mul3A_26 : i32
      %add3A_100 = arith.constant 1 : i32
      %add3A_101 = arith.addi %mul3A_99, %add3A_100 : i32
      %swap3A_102 = arith.index_cast %add3A_101 : i32 to index
      %swap3A_103 = arith.constant 0 : index
      %swap3A_104 = tpu.vector_load %arg8[%swap3A_102, %swap3A_103] {strides = array<i32>} : memref<128x64xf32, #tpu.memory_space<vmem>>, vector<1x16xf32>,
      %swap3A_105 = vector.shape_cast %swap3A_104 : vector<1x16xf32> to vector<16xf32>
      %swap3A_106 = vector.shape_cast %mul3A_97 : vector<16xf32> to vector<1x16xf32>
      tpu.vector_store %arg8[%swap3A_102, %swap3A_103], %swap3A_106 {strides = array<i32>} : memref<128x64xf32, #tpu.memory_space<vmem>>, vector<1x16xf32>,
      %mul3A_107 = vector.broadcast %scan3A_16 : f32 to vector<16xf32>
      %mul3A_108 = arith.mulf %scan3A_51#5, %mul3A_107 : vector<16xf32>
      %mul3A_109 = arith.constant 2 : i32
      %mul3A_110 = arith.muli %mul3A_109, %mul3A_26 : i32
      %add3A_111 = arith.constant 1 : i32
      %add3A_112 = arith.addi %mul3A_110, %add3A_111 : i32
      %swap3A_113 = arith.index_cast %add3A_112 : i32 to index
      %swap3A_114 = arith.constant 16 : index
      %swap3A_115 = tpu.vector_load %arg8[%swap3A_113, %swap3A_114] {strides = array<i32>} : memref<128x64xf32, #tpu.memory_space<vmem>>, vector<1x16xf32>,
      %swap3A_116 = vector.shape_cast %swap3A_115 : vector<1x16xf32> to vector<16xf32>
      %swap3A_117 = vector.shape_cast %mul3A_108 : vector<16xf32> to vector<1x16xf32>
      tpu.vector_store %arg8[%swap3A_113, %swap3A_114], %swap3A_117 {strides = array<i32>} : memref<128x64xf32, #tpu.memory_space<vmem>>, vector<1x16xf32>,
      %mul3A_118 = vector.broadcast %scan3A_16 : f32 to vector<16xf32>
      %mul3A_119 = arith.mulf %scan3A_51#6, %mul3A_118 : vector<16xf32>
      %mul3A_120 = arith.constant 2 : i32
      %mul3A_121 = arith.muli %mul3A_120, %mul3A_26 : i32
      %add3A_122 = arith.constant 1 : i32
      %add3A_123 = arith.addi %mul3A_121, %add3A_122 : i32
      %swap3A_124 = arith.index_cast %add3A_123 : i32 to index
      %swap3A_125 = arith.constant 32 : index
      %swap3A_126 = tpu.vector_load %arg8[%swap3A_124, %swap3A_125] {strides = array<i32>} : memref<128x64xf32, #tpu.memory_space<vmem>>, vector<1x16xf32>,
      %swap3A_127 = vector.shape_cast %swap3A_126 : vector<1x16xf32> to vector<16xf32>
      %swap3A_128 = vector.shape_cast %mul3A_119 : vector<16xf32> to vector<1x16xf32>
      tpu.vector_store %arg8[%swap3A_124, %swap3A_125], %swap3A_128 {strides = array<i32>} : memref<128x64xf32, #tpu.memory_space<vmem>>, vector<1x16xf32>,
      %mul3A_129 = vector.broadcast %scan3A_16 : f32 to vector<16xf32>
      %mul3A_130 = arith.mulf %scan3A_51#7, %mul3A_129 : vector<16xf32>
      %mul3A_131 = arith.constant 2 : i32
      %mul3A_132 = arith.muli %mul3A_131, %mul3A_26 : i32
      %add3A_133 = arith.constant 1 : i32
      %add3A_134 = arith.addi %mul3A_132, %add3A_133 : i32
      %swap3A_135 = arith.index_cast %add3A_134 : i32 to index
      %swap3A_136 = arith.constant 48 : index
      %swap3A_137 = tpu.vector_load %arg8[%swap3A_135, %swap3A_136] {strides = array<i32>} : memref<128x64xf32, #tpu.memory_space<vmem>>, vector<1x16xf32>,
      %swap3A_138 = vector.shape_cast %swap3A_137 : vector<1x16xf32> to vector<16xf32>
      %swap3A_139 = vector.shape_cast %mul3A_130 : vector<16xf32> to vector<1x16xf32>
      tpu.vector_store %arg8[%swap3A_135, %swap3A_136], %swap3A_139 {strides = array<i32>} : memref<128x64xf32, #tpu.memory_space<vmem>>, vector<1x16xf32>,
      %lt3A = arith.constant 31 : i32
      %lt3A_140 = arith.cmpi slt, %scan3A_24, %lt3A : i32
      %convert_element_type3A = arith.extui %lt3A_140 : i1 to i32
      %cond3A = arith.constant 0 : i32
      %cond3A_141 = arith.cmpi ne, %convert_element_type3A, %cond3A : i32
      scf.if %cond3A_141 {
        %add3A_265 = arith.constant 2 : i32
        %add3A_266 = arith.addi %mul3A_26, %add3A_265 : i32
        %dma_start3A_267 = arith.constant 0 : i32
        %dma_start3A_268 = tpu.memref_slice %arg5[%add3A_266, %dma_start3A_267] : memref<64x100xi32, #tpu.memory_space<vmem>> -> memref<1x100xi32, #tpu.memory_space<vmem>>
        %dma_start3A_269 = tpu.memref_squeeze %dma_start3A_268 : memref<1x100xi32, #tpu.memory_space<vmem>> -> memref<100xi32, #tpu.memory_space<vmem>>
        %dma_start3A_270 = arith.constant 0 : i32
        %dma_start3A_271 = arith.constant 0 : i32
        %dma_start3A_272 = tpu.memref_slice %arg3[%dma_start3A_270, %dma_start3A_271] : memref<1000000x128xf32, #tpu.memory_space<hbm>> -> memref<1000000x128xf32, #tpu.memory_space<hbm>>
        tpu.enqueue_indirect_dma source(%dma_start3A_272 : memref<1000000x128xf32, #tpu.memory_space<hbm>>) target(%arg6 : memref<100x128xf32, #tpu.memory_space<vmem>>) offsets(%dma_start3A_269 : memref<100xi32, #tpu.memory_space<vmem>>) semaphore(%arg9 : memref<!tpu.dma_semaphore, #tpu.memory_space<semaphore_mem>>)
      } else {
      }
      %add3A_142 = arith.constant 1 : i32
      %add3A_143 = arith.addi %mul3A_26, %add3A_142 : i32
      %dma_wait3A_144 = arith.constant 0 : i32
      %dma_wait3A_145 = tpu.memref_slice %arg5[%add3A_143, %dma_wait3A_144] : memref<64x100xi32, #tpu.memory_space<vmem>> -> memref<1x100xi32, #tpu.memory_space<vmem>>
      %dma_wait3A_146 = tpu.memref_squeeze %dma_wait3A_145 : memref<1x100xi32, #tpu.memory_space<vmem>> -> memref<100xi32, #tpu.memory_space<vmem>>
      %dma_wait3A_147 = arith.constant 0 : i32
      %dma_wait3A_148 = arith.constant 0 : i32
      %dma_wait3A_149 = tpu.memref_slice %arg3[%dma_wait3A_147, %dma_wait3A_148] : memref<1000000x128xf32, #tpu.memory_space<hbm>> -> memref<1000000x128xf32, #tpu.memory_space<hbm>>
      tpu.wait_indirect_dma semaphore(%arg10 : memref<!tpu.dma_semaphore, #tpu.memory_space<semaphore_mem>>) src(%dma_wait3A_149 : memref<1000000x128xf32, #tpu.memory_space<hbm>>) dst(%arg7 : memref<100x128xf32, #tpu.memory_space<vmem>>)
      %broadcast_in_dim3A_150 = arith.constant 0.000000e+00 : f32
      %broadcast_in_dim3A_151 = vector.broadcast %broadcast_in_dim3A_150 : f32 to vector<16xf32>
      %broadcast_in_dim3A_152 = arith.constant 0.000000e+00 : f32
      %broadcast_in_dim3A_153 = vector.broadcast %broadcast_in_dim3A_152 : f32 to vector<16xf32>
      %broadcast_in_dim3A_154 = arith.constant 0.000000e+00 : f32
      %broadcast_in_dim3A_155 = vector.broadcast %broadcast_in_dim3A_154 : f32 to vector<16xf32>
      %broadcast_in_dim3A_156 = arith.constant 0.000000e+00 : f32
      %broadcast_in_dim3A_157 = vector.broadcast %broadcast_in_dim3A_156 : f32 to vector<16xf32>
      %broadcast_in_dim3A_158 = arith.constant 0.000000e+00 : f32
      %broadcast_in_dim3A_159 = vector.broadcast %broadcast_in_dim3A_158 : f32 to vector<16xf32>
      %broadcast_in_dim3A_160 = arith.constant 0.000000e+00 : f32
      %broadcast_in_dim3A_161 = vector.broadcast %broadcast_in_dim3A_160 : f32 to vector<16xf32>
      %broadcast_in_dim3A_162 = arith.constant 0.000000e+00 : f32
      %broadcast_in_dim3A_163 = vector.broadcast %broadcast_in_dim3A_162 : f32 to vector<16xf32>
      %broadcast_in_dim3A_164 = arith.constant 0.000000e+00 : f32
      %broadcast_in_dim3A_165 = vector.broadcast %broadcast_in_dim3A_164 : f32 to vector<16xf32>
      %scan3A_166 = arith.constant 0 : i32
      %scan3A_167 = arith.constant 25 : i32
      %scan3A_168 = arith.addi %scan3A_166, %scan3A_167 : i32
      %scan3A_169 = arith.constant 1 : i32
      %scan3A_170:8 = scf.for %scan3A_265 = %scan3A_166 to %scan3A_168 step %scan3A_169 iter_args(%scan3A_266 = %broadcast_in_dim3A_151, %scan3A_267 = %broadcast_in_dim3A_153, %scan3A_268 = %broadcast_in_dim3A_155, %scan3A_269 = %broadcast_in_dim3A_157, %scan3A_270 = %broadcast_in_dim3A_159, %scan3A_271 = %broadcast_in_dim3A_161, %scan3A_272 = %broadcast_in_dim3A_163, %scan3A_273 = %broadcast_in_dim3A_165) -> (vector<16xf32>, vector<16xf32>, vector<16xf32>, vector<16xf32>, vector<16xf32>, vector<16xf32>, vector<16xf32>, vector<16xf32>)  : i32 {
        %mul3A_274 = arith.constant 2 : i32
        %mul3A_275 = arith.muli %mul3A_274, %scan3A_265 : i32
        %add3A_276 = arith.constant 0 : i32
        %add3A_277 = arith.addi %mul3A_275, %add3A_276 : i32
        %add3A_278 = arith.constant 0 : i32
        %add3A_279 = arith.addi %add3A_278, %add3A_277 : i32
        %get3A = arith.index_cast %add3A_279 : i32 to index
        %get3A_280 = arith.constant 0 : index
        %get3A_281 = tpu.vector_load %arg7[%get3A, %get3A_280] {strides = array<i32>} : memref<100x128xf32, #tpu.memory_space<vmem>>, vector<1x16xf32>,
        %get3A_282 = vector.shape_cast %get3A_281 : vector<1x16xf32> to vector<16xf32>
        %add3A_283 = arith.addf %scan3A_266, %get3A_282 : vector<16xf32>
        %add3A_284 = arith.constant 0 : i32
        %add3A_285 = arith.addi %add3A_284, %add3A_277 : i32
        %get3A_286 = arith.index_cast %add3A_285 : i32 to index
        %get3A_287 = arith.constant 16 : index
        %get3A_288 = tpu.vector_load %arg7[%get3A_286, %get3A_287] {strides = array<i32>} : memref<100x128xf32, #tpu.memory_space<vmem>>, vector<1x16xf32>,
        %get3A_289 = vector.shape_cast %get3A_288 : vector<1x16xf32> to vector<16xf32>
        %add3A_290 = arith.addf %scan3A_267, %get3A_289 : vector<16xf32>
        %add3A_291 = arith.constant 0 : i32
        %add3A_292 = arith.addi %add3A_291, %add3A_277 : i32
        %get3A_293 = arith.index_cast %add3A_292 : i32 to index
        %get3A_294 = arith.constant 32 : index
        %get3A_295 = tpu.vector_load %arg7[%get3A_293, %get3A_294] {strides = array<i32>} : memref<100x128xf32, #tpu.memory_space<vmem>>, vector<1x16xf32>,
        %get3A_296 = vector.shape_cast %get3A_295 : vector<1x16xf32> to vector<16xf32>
        %add3A_297 = arith.addf %scan3A_268, %get3A_296 : vector<16xf32>
        %add3A_298 = arith.constant 0 : i32
        %add3A_299 = arith.addi %add3A_298, %add3A_277 : i32
        %get3A_300 = arith.index_cast %add3A_299 : i32 to index
        %get3A_301 = arith.constant 48 : index
        %get3A_302 = tpu.vector_load %arg7[%get3A_300, %get3A_301] {strides = array<i32>} : memref<100x128xf32, #tpu.memory_space<vmem>>, vector<1x16xf32>,
        %get3A_303 = vector.shape_cast %get3A_302 : vector<1x16xf32> to vector<16xf32>
        %add3A_304 = arith.addf %scan3A_269, %get3A_303 : vector<16xf32>
        %add3A_305 = arith.constant 50 : i32
        %add3A_306 = arith.addi %add3A_305, %add3A_277 : i32
        %get3A_307 = arith.index_cast %add3A_306 : i32 to index
        %get3A_308 = arith.constant 0 : index
        %get3A_309 = tpu.vector_load %arg7[%get3A_307, %get3A_308] {strides = array<i32>} : memref<100x128xf32, #tpu.memory_space<vmem>>, vector<1x16xf32>,
        %get3A_310 = vector.shape_cast %get3A_309 : vector<1x16xf32> to vector<16xf32>
        %add3A_311 = arith.addf %scan3A_270, %get3A_310 : vector<16xf32>
        %add3A_312 = arith.constant 50 : i32
        %add3A_313 = arith.addi %add3A_312, %add3A_277 : i32
        %get3A_314 = arith.index_cast %add3A_313 : i32 to index
        %get3A_315 = arith.constant 16 : index
        %get3A_316 = tpu.vector_load %arg7[%get3A_314, %get3A_315] {strides = array<i32>} : memref<100x128xf32, #tpu.memory_space<vmem>>, vector<1x16xf32>,
        %get3A_317 = vector.shape_cast %get3A_316 : vector<1x16xf32> to vector<16xf32>
        %add3A_318 = arith.addf %scan3A_271, %get3A_317 : vector<16xf32>
        %add3A_319 = arith.constant 50 : i32
        %add3A_320 = arith.addi %add3A_319, %add3A_277 : i32
        %get3A_321 = arith.index_cast %add3A_320 : i32 to index
        %get3A_322 = arith.constant 32 : index
        %get3A_323 = tpu.vector_load %arg7[%get3A_321, %get3A_322] {strides = array<i32>} : memref<100x128xf32, #tpu.memory_space<vmem>>, vector<1x16xf32>,
        %get3A_324 = vector.shape_cast %get3A_323 : vector<1x16xf32> to vector<16xf32>
        %add3A_325 = arith.addf %scan3A_272, %get3A_324 : vector<16xf32>
        %add3A_326 = arith.constant 50 : i32
        %add3A_327 = arith.addi %add3A_326, %add3A_277 : i32
        %get3A_328 = arith.index_cast %add3A_327 : i32 to index
        %get3A_329 = arith.constant 48 : index
        %get3A_330 = tpu.vector_load %arg7[%get3A_328, %get3A_329] {strides = array<i32>} : memref<100x128xf32, #tpu.memory_space<vmem>>, vector<1x16xf32>,
        %get3A_331 = vector.shape_cast %get3A_330 : vector<1x16xf32> to vector<16xf32>
        %add3A_332 = arith.addf %scan3A_273, %get3A_331 : vector<16xf32>
        %mul3A_333 = arith.constant 2 : i32
        %mul3A_334 = arith.muli %mul3A_333, %scan3A_265 : i32
        %add3A_335 = arith.constant 1 : i32
        %add3A_336 = arith.addi %mul3A_334, %add3A_335 : i32
        %add3A_337 = arith.constant 0 : i32
        %add3A_338 = arith.addi %add3A_337, %add3A_336 : i32
        %get3A_339 = arith.index_cast %add3A_338 : i32 to index
        %get3A_340 = arith.constant 0 : index
        %get3A_341 = tpu.vector_load %arg7[%get3A_339, %get3A_340] {strides = array<i32>} : memref<100x128xf32, #tpu.memory_space<vmem>>, vector<1x16xf32>,
        %get3A_342 = vector.shape_cast %get3A_341 : vector<1x16xf32> to vector<16xf32>
        %add3A_343 = arith.addf %add3A_283, %get3A_342 : vector<16xf32>
        %add3A_344 = arith.constant 0 : i32
        %add3A_345 = arith.addi %add3A_344, %add3A_336 : i32
        %get3A_346 = arith.index_cast %add3A_345 : i32 to index
        %get3A_347 = arith.constant 16 : index
        %get3A_348 = tpu.vector_load %arg7[%get3A_346, %get3A_347] {strides = array<i32>} : memref<100x128xf32, #tpu.memory_space<vmem>>, vector<1x16xf32>,
        %get3A_349 = vector.shape_cast %get3A_348 : vector<1x16xf32> to vector<16xf32>
        %add3A_350 = arith.addf %add3A_290, %get3A_349 : vector<16xf32>
        %add3A_351 = arith.constant 0 : i32
        %add3A_352 = arith.addi %add3A_351, %add3A_336 : i32
        %get3A_353 = arith.index_cast %add3A_352 : i32 to index
        %get3A_354 = arith.constant 32 : index
        %get3A_355 = tpu.vector_load %arg7[%get3A_353, %get3A_354] {strides = array<i32>} : memref<100x128xf32, #tpu.memory_space<vmem>>, vector<1x16xf32>,
        %get3A_356 = vector.shape_cast %get3A_355 : vector<1x16xf32> to vector<16xf32>
        %add3A_357 = arith.addf %add3A_297, %get3A_356 : vector<16xf32>
        %add3A_358 = arith.constant 0 : i32
        %add3A_359 = arith.addi %add3A_358, %add3A_336 : i32
        %get3A_360 = arith.index_cast %add3A_359 : i32 to index
        %get3A_361 = arith.constant 48 : index
        %get3A_362 = tpu.vector_load %arg7[%get3A_360, %get3A_361] {strides = array<i32>} : memref<100x128xf32, #tpu.memory_space<vmem>>, vector<1x16xf32>,
        %get3A_363 = vector.shape_cast %get3A_362 : vector<1x16xf32> to vector<16xf32>
        %add3A_364 = arith.addf %add3A_304, %get3A_363 : vector<16xf32>
        %add3A_365 = arith.constant 50 : i32
        %add3A_366 = arith.addi %add3A_365, %add3A_336 : i32
        %get3A_367 = arith.index_cast %add3A_366 : i32 to index
        %get3A_368 = arith.constant 0 : index
        %get3A_369 = tpu.vector_load %arg7[%get3A_367, %get3A_368] {strides = array<i32>} : memref<100x128xf32, #tpu.memory_space<vmem>>, vector<1x16xf32>,
        %get3A_370 = vector.shape_cast %get3A_369 : vector<1x16xf32> to vector<16xf32>
        %add3A_371 = arith.addf %add3A_311, %get3A_370 : vector<16xf32>
        %add3A_372 = arith.constant 50 : i32
        %add3A_373 = arith.addi %add3A_372, %add3A_336 : i32
        %get3A_374 = arith.index_cast %add3A_373 : i32 to index
        %get3A_375 = arith.constant 16 : index
        %get3A_376 = tpu.vector_load %arg7[%get3A_374, %get3A_375] {strides = array<i32>} : memref<100x128xf32, #tpu.memory_space<vmem>>, vector<1x16xf32>,
        %get3A_377 = vector.shape_cast %get3A_376 : vector<1x16xf32> to vector<16xf32>
        %add3A_378 = arith.addf %add3A_318, %get3A_377 : vector<16xf32>
        %add3A_379 = arith.constant 50 : i32
        %add3A_380 = arith.addi %add3A_379, %add3A_336 : i32
        %get3A_381 = arith.index_cast %add3A_380 : i32 to index
        %get3A_382 = arith.constant 32 : index
        %get3A_383 = tpu.vector_load %arg7[%get3A_381, %get3A_382] {strides = array<i32>} : memref<100x128xf32, #tpu.memory_space<vmem>>, vector<1x16xf32>,
        %get3A_384 = vector.shape_cast %get3A_383 : vector<1x16xf32> to vector<16xf32>
        %add3A_385 = arith.addf %add3A_325, %get3A_384 : vector<16xf32>
        %add3A_386 = arith.constant 50 : i32
        %add3A_387 = arith.addi %add3A_386, %add3A_336 : i32
        %get3A_388 = arith.index_cast %add3A_387 : i32 to index
        %get3A_389 = arith.constant 48 : index
        %get3A_390 = tpu.vector_load %arg7[%get3A_388, %get3A_389] {strides = array<i32>} : memref<100x128xf32, #tpu.memory_space<vmem>>, vector<1x16xf32>,
        %get3A_391 = vector.shape_cast %get3A_390 : vector<1x16xf32> to vector<16xf32>
        %add3A_392 = arith.addf %add3A_332, %get3A_391 : vector<16xf32>
        scf.yield %add3A_343, %add3A_350, %add3A_357, %add3A_364, %add3A_371, %add3A_378, %add3A_385, %add3A_392 : vector<16xf32>, vector<16xf32>, vector<16xf32>, vector<16xf32>, vector<16xf32>, vector<16xf32>, vector<16xf32>, vector<16xf32>
      }
      %scan3A_171 = arith.constant 25 : i32
      %mul3A_172 = vector.broadcast %scan3A_16 : f32 to vector<16xf32>
      %mul3A_173 = arith.mulf %scan3A_170#0, %mul3A_172 : vector<16xf32>
      %mul3A_174 = arith.constant 2 : i32
      %mul3A_175 = arith.muli %mul3A_174, %add3A_143 : i32
      %add3A_176 = arith.constant 0 : i32
      %add3A_177 = arith.addi %mul3A_175, %add3A_176 : i32
      %swap3A_178 = arith.index_cast %add3A_177 : i32 to index
      %swap3A_179 = arith.constant 0 : index
      %swap3A_180 = tpu.vector_load %arg8[%swap3A_178, %swap3A_179] {strides = array<i32>} : memref<128x64xf32, #tpu.memory_space<vmem>>, vector<1x16xf32>,
      %swap3A_181 = vector.shape_cast %swap3A_180 : vector<1x16xf32> to vector<16xf32>
      %swap3A_182 = vector.shape_cast %mul3A_173 : vector<16xf32> to vector<1x16xf32>
      tpu.vector_store %arg8[%swap3A_178, %swap3A_179], %swap3A_182 {strides = array<i32>} : memref<128x64xf32, #tpu.memory_space<vmem>>, vector<1x16xf32>,
      %mul3A_183 = vector.broadcast %scan3A_16 : f32 to vector<16xf32>
      %mul3A_184 = arith.mulf %scan3A_170#1, %mul3A_183 : vector<16xf32>
      %mul3A_185 = arith.constant 2 : i32
      %mul3A_186 = arith.muli %mul3A_185, %add3A_143 : i32
      %add3A_187 = arith.constant 0 : i32
      %add3A_188 = arith.addi %mul3A_186, %add3A_187 : i32
      %swap3A_189 = arith.index_cast %add3A_188 : i32 to index
      %swap3A_190 = arith.constant 16 : index
      %swap3A_191 = tpu.vector_load %arg8[%swap3A_189, %swap3A_190] {strides = array<i32>} : memref<128x64xf32, #tpu.memory_space<vmem>>, vector<1x16xf32>,
      %swap3A_192 = vector.shape_cast %swap3A_191 : vector<1x16xf32> to vector<16xf32>
      %swap3A_193 = vector.shape_cast %mul3A_184 : vector<16xf32> to vector<1x16xf32>
      tpu.vector_store %arg8[%swap3A_189, %swap3A_190], %swap3A_193 {strides = array<i32>} : memref<128x64xf32, #tpu.memory_space<vmem>>, vector<1x16xf32>,
      %mul3A_194 = vector.broadcast %scan3A_16 : f32 to vector<16xf32>
      %mul3A_195 = arith.mulf %scan3A_170#2, %mul3A_194 : vector<16xf32>
      %mul3A_196 = arith.constant 2 : i32
      %mul3A_197 = arith.muli %mul3A_196, %add3A_143 : i32
      %add3A_198 = arith.constant 0 : i32
      %add3A_199 = arith.addi %mul3A_197, %add3A_198 : i32
      %swap3A_200 = arith.index_cast %add3A_199 : i32 to index
      %swap3A_201 = arith.constant 32 : index
      %swap3A_202 = tpu.vector_load %arg8[%swap3A_200, %swap3A_201] {strides = array<i32>} : memref<128x64xf32, #tpu.memory_space<vmem>>, vector<1x16xf32>,
      %swap3A_203 = vector.shape_cast %swap3A_202 : vector<1x16xf32> to vector<16xf32>
      %swap3A_204 = vector.shape_cast %mul3A_195 : vector<16xf32> to vector<1x16xf32>
      tpu.vector_store %arg8[%swap3A_200, %swap3A_201], %swap3A_204 {strides = array<i32>} : memref<128x64xf32, #tpu.memory_space<vmem>>, vector<1x16xf32>,
      %mul3A_205 = vector.broadcast %scan3A_16 : f32 to vector<16xf32>
      %mul3A_206 = arith.mulf %scan3A_170#3, %mul3A_205 : vector<16xf32>
      %mul3A_207 = arith.constant 2 : i32
      %mul3A_208 = arith.muli %mul3A_207, %add3A_143 : i32
      %add3A_209 = arith.constant 0 : i32
      %add3A_210 = arith.addi %mul3A_208, %add3A_209 : i32
      %swap3A_211 = arith.index_cast %add3A_210 : i32 to index
      %swap3A_212 = arith.constant 48 : index
      %swap3A_213 = tpu.vector_load %arg8[%swap3A_211, %swap3A_212] {strides = array<i32>} : memref<128x64xf32, #tpu.memory_space<vmem>>, vector<1x16xf32>,
      %swap3A_214 = vector.shape_cast %swap3A_213 : vector<1x16xf32> to vector<16xf32>
      %swap3A_215 = vector.shape_cast %mul3A_206 : vector<16xf32> to vector<1x16xf32>
      tpu.vector_store %arg8[%swap3A_211, %swap3A_212], %swap3A_215 {strides = array<i32>} : memref<128x64xf32, #tpu.memory_space<vmem>>, vector<1x16xf32>,
      %mul3A_216 = vector.broadcast %scan3A_16 : f32 to vector<16xf32>
      %mul3A_217 = arith.mulf %scan3A_170#4, %mul3A_216 : vector<16xf32>
      %mul3A_218 = arith.constant 2 : i32
      %mul3A_219 = arith.muli %mul3A_218, %add3A_143 : i32
      %add3A_220 = arith.constant 1 : i32
      %add3A_221 = arith.addi %mul3A_219, %add3A_220 : i32
      %swap3A_222 = arith.index_cast %add3A_221 : i32 to index
      %swap3A_223 = arith.constant 0 : index
      %swap3A_224 = tpu.vector_load %arg8[%swap3A_222, %swap3A_223] {strides = array<i32>} : memref<128x64xf32, #tpu.memory_space<vmem>>, vector<1x16xf32>,
      %swap3A_225 = vector.shape_cast %swap3A_224 : vector<1x16xf32> to vector<16xf32>
      %swap3A_226 = vector.shape_cast %mul3A_217 : vector<16xf32> to vector<1x16xf32>
      tpu.vector_store %arg8[%swap3A_222, %swap3A_223], %swap3A_226 {strides = array<i32>} : memref<128x64xf32, #tpu.memory_space<vmem>>, vector<1x16xf32>,
      %mul3A_227 = vector.broadcast %scan3A_16 : f32 to vector<16xf32>
      %mul3A_228 = arith.mulf %scan3A_170#5, %mul3A_227 : vector<16xf32>
      %mul3A_229 = arith.constant 2 : i32
      %mul3A_230 = arith.muli %mul3A_229, %add3A_143 : i32
      %add3A_231 = arith.constant 1 : i32
      %add3A_232 = arith.addi %mul3A_230, %add3A_231 : i32
      %swap3A_233 = arith.index_cast %add3A_232 : i32 to index
      %swap3A_234 = arith.constant 16 : index
      %swap3A_235 = tpu.vector_load %arg8[%swap3A_233, %swap3A_234] {strides = array<i32>} : memref<128x64xf32, #tpu.memory_space<vmem>>, vector<1x16xf32>,
      %swap3A_236 = vector.shape_cast %swap3A_235 : vector<1x16xf32> to vector<16xf32>
      %swap3A_237 = vector.shape_cast %mul3A_228 : vector<16xf32> to vector<1x16xf32>
      tpu.vector_store %arg8[%swap3A_233, %swap3A_234], %swap3A_237 {strides = array<i32>} : memref<128x64xf32, #tpu.memory_space<vmem>>, vector<1x16xf32>,
      %mul3A_238 = vector.broadcast %scan3A_16 : f32 to vector<16xf32>
      %mul3A_239 = arith.mulf %scan3A_170#6, %mul3A_238 : vector<16xf32>
      %mul3A_240 = arith.constant 2 : i32
      %mul3A_241 = arith.muli %mul3A_240, %add3A_143 : i32
      %add3A_242 = arith.constant 1 : i32
      %add3A_243 = arith.addi %mul3A_241, %add3A_242 : i32
      %swap3A_244 = arith.index_cast %add3A_243 : i32 to index
      %swap3A_245 = arith.constant 32 : index
      %swap3A_246 = tpu.vector_load %arg8[%swap3A_244, %swap3A_245] {strides = array<i32>} : memref<128x64xf32, #tpu.memory_space<vmem>>, vector<1x16xf32>,
      %swap3A_247 = vector.shape_cast %swap3A_246 : vector<1x16xf32> to vector<16xf32>
      %swap3A_248 = vector.shape_cast %mul3A_239 : vector<16xf32> to vector<1x16xf32>
      tpu.vector_store %arg8[%swap3A_244, %swap3A_245], %swap3A_248 {strides = array<i32>} : memref<128x64xf32, #tpu.memory_space<vmem>>, vector<1x16xf32>,
      %mul3A_249 = vector.broadcast %scan3A_16 : f32 to vector<16xf32>
      %mul3A_250 = arith.mulf %scan3A_170#7, %mul3A_249 : vector<16xf32>
      %mul3A_251 = arith.constant 2 : i32
      %mul3A_252 = arith.muli %mul3A_251, %add3A_143 : i32
      %add3A_253 = arith.constant 1 : i32
      %add3A_254 = arith.addi %mul3A_252, %add3A_253 : i32
      %swap3A_255 = arith.index_cast %add3A_254 : i32 to index
      %swap3A_256 = arith.constant 48 : index
      %swap3A_257 = tpu.vector_load %arg8[%swap3A_255, %swap3A_256] {strides = array<i32>} : memref<128x64xf32, #tpu.memory_space<vmem>>, vector<1x16xf32>,
      %swap3A_258 = vector.shape_cast %swap3A_257 : vector<1x16xf32> to vector<16xf32>
      %swap3A_259 = vector.shape_cast %mul3A_250 : vector<16xf32> to vector<1x16xf32>
      tpu.vector_store %arg8[%swap3A_255, %swap3A_256], %swap3A_259 {strides = array<i32>} : memref<128x64xf32, #tpu.memory_space<vmem>>, vector<1x16xf32>,
      %lt3A_260 = arith.constant 31 : i32
      %lt3A_261 = arith.cmpi slt, %scan3A_24, %lt3A_260 : i32
      %convert_element_type3A_262 = arith.extui %lt3A_261 : i1 to i32
      %cond3A_263 = arith.constant 0 : i32
      %cond3A_264 = arith.cmpi ne, %convert_element_type3A_262, %cond3A_263 : i32
      scf.if %cond3A_264 {
        %add3A_265 = arith.constant 2 : i32
        %add3A_266 = arith.addi %add3A_143, %add3A_265 : i32
        %dma_start3A_267 = arith.constant 0 : i32
        %dma_start3A_268 = tpu.memref_slice %arg5[%add3A_266, %dma_start3A_267] : memref<64x100xi32, #tpu.memory_space<vmem>> -> memref<1x100xi32, #tpu.memory_space<vmem>>
        %dma_start3A_269 = tpu.memref_squeeze %dma_start3A_268 : memref<1x100xi32, #tpu.memory_space<vmem>> -> memref<100xi32, #tpu.memory_space<vmem>>
        %dma_start3A_270 = arith.constant 0 : i32
        %dma_start3A_271 = arith.constant 0 : i32
        %dma_start3A_272 = tpu.memref_slice %arg3[%dma_start3A_270, %dma_start3A_271] : memref<1000000x128xf32, #tpu.memory_space<hbm>> -> memref<1000000x128xf32, #tpu.memory_space<hbm>>
        tpu.enqueue_indirect_dma source(%dma_start3A_272 : memref<1000000x128xf32, #tpu.memory_space<hbm>>) target(%arg7 : memref<100x128xf32, #tpu.memory_space<vmem>>) offsets(%dma_start3A_269 : memref<100xi32, #tpu.memory_space<vmem>>) semaphore(%arg10 : memref<!tpu.dma_semaphore, #tpu.memory_space<semaphore_mem>>)
      } else {
      }
    }
    %scan3A_21 = arith.constant 32 : i32
    %mul3A_22 = arith.constant 128 : i32
    %mul3A_23 = arith.muli %add3A, %mul3A_22 : i32
    "tpu.region"() ({
      %run_scoped3A = tpu.sem_alloc : memref<!tpu.dma_semaphore, #tpu.memory_space<semaphore_mem>>
      %dma_start3A_24 = arith.constant 0 : i32
      %dma_start3A_25 = tpu.memref_slice %arg4[%mul3A_23, %dma_start3A_24] : memref<4096x64xf32, #tpu.memory_space<hbm>> -> memref<128x64xf32, #tpu.memory_space<hbm>>
      %dma_start3A_26 = arith.constant 0 : i32
      %dma_start3A_27 = tpu.memref_slice %arg4[%mul3A_23, %dma_start3A_26] : memref<4096x64xf32, #tpu.memory_space<hbm>> -> memref<128x64xf32, #tpu.memory_space<hbm>>
      tpu.enqueue_dma source(%arg8 : memref<128x64xf32, #tpu.memory_space<vmem>>) target(%dma_start3A_27 : memref<128x64xf32, #tpu.memory_space<hbm>>) target_semaphore(%run_scoped3A : memref<!tpu.dma_semaphore, #tpu.memory_space<semaphore_mem>>)
      %dma_wait3A = arith.constant 0 : i32
      %dma_wait3A_28 = tpu.memref_slice %arg4[%mul3A_23, %dma_wait3A] : memref<4096x64xf32, #tpu.memory_space<hbm>> -> memref<128x64xf32, #tpu.memory_space<hbm>>
      %dma_wait3A_29 = arith.constant 0 : i32
      %dma_wait3A_30 = tpu.memref_slice %arg4[%mul3A_23, %dma_wait3A_29] : memref<4096x64xf32, #tpu.memory_space<hbm>> -> memref<128x64xf32, #tpu.memory_space<hbm>>
      tpu.wait_dma2 semaphore(%run_scoped3A : memref<!tpu.dma_semaphore, #tpu.memory_space<semaphore_mem>>) src(%arg8 : memref<128x64xf32, #tpu.memory_space<vmem>>) dst(%dma_wait3A_30 : memref<128x64xf32, #tpu.memory_space<hbm>>)
      tpu.yield
    }) : () -> ()
    return
  }
}

module attributes {stable_mosaic.version = 14 : i64} {
  func.func @body(%arg0: i32, %arg1: memref<512x64xf32, #tpu.memory_space<vmem>>, %arg2: memref<64x64xf32, #tpu.memory_space<vmem>>, %arg3: memref<1x64xf32, #tpu.memory_space<vmem>>, %arg4: memref<128x64xf32, #tpu.memory_space<vmem>>, %arg5: memref<1x128xf32, #tpu.memory_space<vmem>>, %arg6: memref<512x128xf32, #tpu.memory_space<vmem>>) attributes {dimension_semantics = [#tpu.dimension_semantics<arbitrary>], iteration_bounds = array<i64: 8>, scalar_prefetch = 0 : i64, scratch_operands = 0 : i64, tpu.core_type = #tpu.core_type<tc>, window_params = [{transform_indices = @transform_0, window_bounds = array<i64: 512, 64>}, {pipeline_mode = #tpu.pipeline_mode<synchronous>, transform_indices = @transform_1, window_bounds = array<i64: 64, 64>}, {pipeline_mode = #tpu.pipeline_mode<synchronous>, transform_indices = @transform_2, window_bounds = array<i64: 1, 64>}, {pipeline_mode = #tpu.pipeline_mode<synchronous>, transform_indices = @transform_3, window_bounds = array<i64: 128, 64>}, {pipeline_mode = #tpu.pipeline_mode<synchronous>, transform_indices = @transform_4, window_bounds = array<i64: 1, 128>}, {transform_indices = @transform_5, window_bounds = array<i64: 512, 128>}]} {
    %get3A = arith.constant 0 : index
    %get3A_0 = arith.constant 0 : index
    %get3A_1 = vector.load %arg1[%get3A, %get3A_0] : memref<512x64xf32, #tpu.memory_space<vmem>>, vector<512x64xf32>
    %get3A_2 = arith.constant 0 : index
    %get3A_3 = arith.constant 0 : index
    %get3A_4 = vector.load %arg2[%get3A_2, %get3A_3] : memref<64x64xf32, #tpu.memory_space<vmem>>, vector<64x64xf32>
    %dot_general3A = arith.constant dense<0.000000e+00> : vector<512x64xf32>
    %dot_general3A_5 = tpu.matmul %get3A_1, %get3A_4, %dot_general3A {dimension_numbers = #tpu.dot_dimension_numbers<[1], [1], [0], [0], [0, 0, 1, 0], [], []>, transpose_lhs_hint = false} : vector<512x64xf32>, vector<64x64xf32>, vector<512x64xf32> -> vector<512x64xf32>
    %get3A_6 = arith.constant 0 : index
    %get3A_7 = arith.constant 0 : index
    %get3A_8 = vector.load %arg3[%get3A_6, %get3A_7] : memref<1x64xf32, #tpu.memory_space<vmem>>, vector<1x64xf32>
    %add3A = vector.broadcast %get3A_8 : vector<1x64xf32> to vector<512x64xf32>
    %add3A_9 = arith.addf %dot_general3A_5, %add3A : vector<512x64xf32>
    %max3A = arith.constant 0.000000e+00 : f32
    %max3A_10 = vector.broadcast %max3A : f32 to vector<512x64xf32>
    %max3A_11 = arith.maximumf %add3A_9, %max3A_10 : vector<512x64xf32>
    %get3A_12 = arith.constant 0 : index
    %get3A_13 = arith.constant 0 : index
    %get3A_14 = vector.load %arg4[%get3A_12, %get3A_13] : memref<128x64xf32, #tpu.memory_space<vmem>>, vector<128x64xf32>
    %dot_general3A_15 = arith.constant dense<0.000000e+00> : vector<512x128xf32>
    %dot_general3A_16 = tpu.matmul %max3A_11, %get3A_14, %dot_general3A_15 {dimension_numbers = #tpu.dot_dimension_numbers<[1], [1], [0], [0], [0, 0, 1, 0], [], []>, transpose_lhs_hint = false} : vector<512x64xf32>, vector<128x64xf32>, vector<512x128xf32> -> vector<512x128xf32>
    %get3A_17 = arith.constant 0 : index
    %get3A_18 = arith.constant 0 : index
    %get3A_19 = vector.load %arg5[%get3A_17, %get3A_18] : memref<1x128xf32, #tpu.memory_space<vmem>>, vector<1x128xf32>
    %add3A_20 = vector.broadcast %get3A_19 : vector<1x128xf32> to vector<512x128xf32>
    %add3A_21 = arith.addf %dot_general3A_16, %add3A_20 : vector<512x128xf32>
    %swap3A = arith.constant 0 : index
    %swap3A_22 = arith.constant 0 : index
    %swap3A_23 = vector.load %arg6[%swap3A, %swap3A_22] : memref<512x128xf32, #tpu.memory_space<vmem>>, vector<512x128xf32>
    tpu.vector_store %arg6[%swap3A, %swap3A_22], %add3A_21 {strides = array<i32>} : memref<512x128xf32, #tpu.memory_space<vmem>>, vector<512x128xf32>,
    return
  }
  func.func @transform_0(%arg0: i32) -> (i32, i32) {
    %c0_i32 = arith.constant 0 : i32
    %c0_i32_0 = arith.constant 0 : i32
    return %arg0, %c0_i32 : i32, i32
  }
  func.func @transform_1(%arg0: i32) -> (i32, i32) {
    %c0_i32 = arith.constant 0 : i32
    %c0_i32_0 = arith.constant 0 : i32
    %c0_i32_1 = arith.constant 0 : i32
    return %c0_i32, %c0_i32_0 : i32, i32
  }
  func.func @transform_2(%arg0: i32) -> (i32, i32) {
    %c0_i32 = arith.constant 0 : i32
    %c0_i32_0 = arith.constant 0 : i32
    %c0_i32_1 = arith.constant 0 : i32
    return %c0_i32, %c0_i32_0 : i32, i32
  }
  func.func @transform_3(%arg0: i32) -> (i32, i32) {
    %c0_i32 = arith.constant 0 : i32
    %c0_i32_0 = arith.constant 0 : i32
    %c0_i32_1 = arith.constant 0 : i32
    return %c0_i32, %c0_i32_0 : i32, i32
  }
  func.func @transform_4(%arg0: i32) -> (i32, i32) {
    %c0_i32 = arith.constant 0 : i32
    %c0_i32_0 = arith.constant 0 : i32
    %c0_i32_1 = arith.constant 0 : i32
    return %c0_i32, %c0_i32_0 : i32, i32
  }
  func.func @transform_5(%arg0: i32) -> (i32, i32) {
    %c0_i32 = arith.constant 0 : i32
    %c0_i32_0 = arith.constant 0 : i32
    return %arg0, %c0_i32 : i32, i32
  }
}

module attributes {stable_mosaic.version = 14 : i64} {
  func.func @body(%arg0: i32, %arg1: memref<64x16384xf32, #tpu.memory_space<vmem>>, %arg2: memref<16384x128xf32, #tpu.memory_space<vmem>>) attributes {dimension_semantics = [#tpu.dimension_semantics<arbitrary>], iteration_bounds = array<i64: 62>, scalar_prefetch = 0 : i64, scratch_operands = 0 : i64, tpu.core_type = #tpu.core_type<tc>, window_params = [{transform_indices = @transform_0, window_bounds = array<i64: 64, 16384>}, {transform_indices = @transform_1, window_bounds = array<i64: 16384, 128>}]} {
    %get3A = arith.constant 0 : index
    %get3A_0 = arith.constant 0 : index
    %get3A_1 = vector.load %arg1[%get3A, %get3A_0] : memref<64x16384xf32, #tpu.memory_space<vmem>>, vector<64x16384xf32>
    %transpose3A = tpu.transpose %get3A_1, [1, 0] : vector<64x16384xf32> -> vector<16384x64xf32>
    %swap3A = arith.constant 0 : index
    %swap3A_2 = arith.constant 0 : index
    %swap3A_3 = vector.load %arg2[%swap3A, %swap3A_2] : memref<16384x128xf32, #tpu.memory_space<vmem>>, vector<16384x64xf32>
    tpu.vector_store %arg2[%swap3A, %swap3A_2], %transpose3A {strides = array<i32>} : memref<16384x128xf32, #tpu.memory_space<vmem>>, vector<16384x64xf32>,
    return
  }
  func.func @transform_0(%arg0: i32) -> (i32, i32) {
    %c0_i32 = arith.constant 0 : i32
    %c0_i32_0 = arith.constant 0 : i32
    return %c0_i32, %arg0 : i32, i32
  }
  func.func @transform_1(%arg0: i32) -> (i32, i32) {
    %c0_i32 = arith.constant 0 : i32
    %c0_i32_0 = arith.constant 0 : i32
    return %arg0, %c0_i32 : i32, i32
  }
}

</mosaic_0001>

<sc_bundles>
// kernel: kernel.5.cloned.1.call-start
scs
__scs_entry_jumppad:
0x0: {  	(pc) =	sbr.rel $0x88, $3  }
0x1: {  	(tag) =	ssettag $0x0;
	lr =	simm.s32 $0x1  }
0x2: {  	[smem:$0x3F9B] =	sst lr;
	_ =	strace $0xD0000000  }
0x3: {  	_ = 	snop  }
0x4: {  	_ = 	snop  }
0x5: {  	_ = 	snop  }
0x6: {  	_ = 	snop  }
0x7: {  	_ = 	snop  }
__scs_overlays_trampoline_lowered:
0x8: {  	[smem:$0x3FAA] =	sst s0  }
0x9: {  	[smem:$0x3FAB] =	sst s1  }
0xa: {  	[smem:$0x3FAC] =	sst s2  }
0xb: {  	[smem:$0x3FAD] =	sst s3  }
0xc: {  	[smem:$0x3FAE] =	sst s4  }
0xd: {  	[smem:$0x3FAF] =	sst s5  }
0xe: {  	[smem:$0x3FB0] =	sst s6  }
0xf: {  	[smem:$0x3FB1] =	sst s7  }
0x10: {  	[smem:$0x3FB2] =	sst s8  }
0x11: {  	[smem:$0x3FB3] =	sst s9;
	s0 =	simm.s32 @!p0 $0x0  }
0x12: {  	s1 =	sld [smem:$0x3F99];
	s0 =	simm.s32 @p0 $0x1  }
0x13: {  	[smem:$0x3FB4] =	sst s0;
	s0 =	simm.s32 @!p1 $0x0  }
0x14: {  	s2 =	sld [smem:$0x3F98];
	s0 =	simm.s32 @p1 $0x1  }
0x15: {  	[smem:$0x3FB5] =	sst s0;
	s0 =	simm.s32 @!p2 $0x0  }
0x16: {  	s3 =	sld [smem:$0x3FDB];
	s0 =	simm.s32 @p2 $0x1  }
0x17: {  	s4 =	simm.s32 $0x1BF5;
	[smem:$0x3FB7] =	sst s0  }
0x18: {  	s0 =	sld [smem:$0x3F9A];
	_ =	swait.ge [sflag:s4], $0x0  }
0x19: {  	s7 =	sld [smem:$0x3F9B]  }
0x1a: {  	s8 =	sadd.s32 $0xFFFFE003, lr  }
0x1b: {  	s9 =	sadd.s32 $0xFFFFFEF7, lr;
	s5 =	simm.s32 $0xFFFFFFFF;
	p2 =	slt.u32 s8, $0xFFFFF086  }
0x1c: {  	p1 =	slt.u32 s9, $0xF7A;
	s5 =	simm.s32 @!p2 $0x0  }
0x1d: {  	s5 =	simm.s32 @p1 $0x1;
	p0 =	seq.s32 s7, s2  }
0x1e: {  	s7 =	smul.u32 @!p0 $0xF7A, s2;
	p2 =	seq.s32 @!p0 s5, $0x0  }
0x1f: {  	s9 =	smul.u32 $0xF7A, s1;
	s8 =	simm.s32 @!p0 $0x1BF5;
	p2 =	por !p2, p0  }
0x20: {  	[sflag:s8] =	ssyncset.s32 @!p0 $0xFFFFF086;
	s6 =	sadd.s32 @!p0 s3, s7;
	s7 =	simm.s32 @!p0 $0x108  }
0x21: {  	s3 =	sadd.s32 s3, s9;
	s6 =	sadd.s32 @!p0 $0x88, s6;
	s7 =	simm.s32 @p2 $0x1082  }
0x22: {  	[simem:s7], [sflag:s8] =	dma.local @!p0 [hbm:s6], $0xF7A  }
0x23: {  	s9 =	sor.u32 $0xD0000000, s2;
	s6 =	simm.s32 $0x108;
	_ =	swait.ge @!p0 [sflag:s8], $0x0  }
0x24: {  	s3 =	sadd.s32 $0x88, s3;
	s6 =	simm.s32 @!p1 $0x1082;
	[sflag:s4] =	ssyncset.s32 $0xFFFFF086  }
0x25: {  	[simem:s6], [sflag:s4] =	dma.local [hbm:s3], $0xF7A  }
0x26: {  	[smem:$0x3F9B] =	sst s1;
	(tag) =	ssettag s2;
	_ =	strace s9  }
0x27: {  	s1 =	sld [smem:$0x3FAB]  }
0x28: {  	s2 =	sld [smem:$0x3FAC]  }
0x29: {  	s4 =	sld [smem:$0x3FAE]  }
0x2a: {  	p0 =	seq.s32 s5, $0x0;
	s5 =	sld [smem:$0x3FAF]  }
0x2b: {  	s6 =	sld [smem:$0x3FB0]  }
0x2c: {  	s7 =	sld [smem:$0x3FB1]  }
0x2d: {  	s3 =	simm.s32 $0x108;
	s8 =	sld [smem:$0x3FB2]  }
0x2e: {  	s3 =	simm.s32 @!p0 $0x1082;
	s9 =	sld [smem:$0x3FB3]  }
0x2f: {  	lr =	sadd.s32 s0, s3;
	s0 =	sld [smem:$0x3FAA]  }
0x30: {  	s3 =	sld [smem:$0x3FAD]  }
0x31: {  	[smem:$0x3FB6] =	sst s10  }
0x32: {  	s10 =	sld [smem:$0x3FB4];
	_ =	sdelay $0x3  }
0x33: {  	p0 =	seq.s32 s10, $0x1;
	s10 =	sld [smem:$0x3FB6];
	_ =	sdelay $0x3  }
0x34: {  	[smem:$0x3FB6] =	sst s10  }
0x35: {  	s10 =	sld [smem:$0x3FB5];
	_ =	sdelay $0x3  }
0x36: {  	p1 =	seq.s32 s10, $0x1;
	s10 =	sld [smem:$0x3FB6];
	_ =	sdelay $0x3  }
0x37: {  	[smem:$0x3FB6] =	sst s10  }
0x38: {  	s10 =	sld [smem:$0x3FB7]  }
0x39: {  	_ = 	snop;
	(pc) =	sbr.ind lr, $3  }
0x3a: {  	_ = 	snop  }
0x3b: {  	_ = 	snop  }
0x3c: {  	p2 =	seq.s32 s10, $0x1;
	s10 =	sld [smem:$0x3FB6]  }
0x3d: {  	_ =	shalt  }
0x3e: {  	_ =	shalt  }
0x3f: {  	_ =	shalt  }
0x40: {  	_ =	shalt  }
0x41: {  	_ =	shalt  }
0x42: {  	_ =	shalt  }
0x43: {  	_ =	shalt  }
0x44: {  	_ =	shalt  }
0x45: {  	_ =	shalt  }
0x46: {  	_ =	shalt  }
0x47: {  	_ =	shalt  }
0x48: {  	_ =	shalt  }
0x49: {  	_ =	shalt  }
0x4a: {  	_ =	shalt  }
0x4b: {  	_ =	shalt  }
0x4c: {  	_ =	shalt  }
0x4d: {  	_ =	shalt  }
0x4e: {  	_ =	shalt  }
0x4f: {  	_ =	shalt  }
0x50: {  	_ =	shalt  }
0x51: {  	_ =	shalt  }
0x52: {  	_ =	shalt  }
0x53: {  	_ =	shalt  }
0x54: {  	_ =	shalt  }
0x55: {  	_ =	shalt  }
0x56: {  	_ =	shalt  }
0x57: {  	_ =	shalt  }
0x58: {  	_ =	shalt  }
0x59: {  	_ =	shalt  }
0x5a: {  	_ =	shalt  }
0x5b: {  	_ =	shalt  }
0x5c: {  	_ =	shalt  }
0x5d: {  	_ =	shalt  }
0x5e: {  	_ =	shalt  }
0x5f: {  	_ =	shalt  }
0x60: {  	_ =	shalt  }
0x61: {  	_ =	shalt  }
0x62: {  	_ =	shalt  }
0x63: {  	_ =	shalt  }
0x64: {  	_ =	shalt  }
0x65: {  	_ =	shalt  }
0x66: {  	_ =	shalt  }
0x67: {  	_ =	shalt  }
0x68: {  	_ =	shalt  }
0x69: {  	_ =	shalt  }
0x6a: {  	_ =	shalt  }
0x6b: {  	_ =	shalt  }
0x6c: {  	_ =	shalt  }
0x6d: {  	_ =	shalt  }
0x6e: {  	_ =	shalt  }
0x6f: {  	_ =	shalt  }
0x70: {  	_ =	shalt  }
0x71: {  	_ =	shalt  }
0x72: {  	_ =	shalt  }
0x73: {  	_ =	shalt  }
0x74: {  	_ =	shalt  }
0x75: {  	_ =	shalt  }
0x76: {  	_ =	shalt  }
0x77: {  	_ =	shalt  }
0x78: {  	_ =	shalt  }
0x79: {  	_ =	shalt  }
0x7a: {  	_ =	shalt  }
0x7b: {  	_ =	shalt  }
0x7c: {  	_ =	shalt  }
0x7d: {  	_ =	shalt  }
0x7e: {  	_ =	shalt  }
0x7f: {  	_ =	shalt  }
0x80: {  	_ =	shalt  }
0x81: {  	_ =	shalt  }
0x82: {  	_ =	shalt  }
0x83: {  	_ =	shalt  }
0x84: {  	_ =	shalt  }
0x85: {  	_ =	shalt  }
0x86: {  	_ =	shalt  }
0x87: {  	_ =	shalt  }
.Lfunc_end0:
.L_simem_size_0:
called_computation_lowered:
.L_overlay_start_0:
0x88: {  	s2 =	sld [smem:$0x3FD9]  }
0x89: {  	s3 =	sld [smem:$0x3FFE];
	_ =	sdelay $0x1  }
0x8a: {  	s1 =	srdreg.scid  }
0x8b: {  	s0 =	sand.u32 $0x1, s1  }
0x8c: {  	s17 =	sshll.u32 s0, $0xA;
	s2 =	sadd.s32 s3, s2  }
0x8d: {  	s2 =	sadd.s32 s2, s17  }
0x8e: {  	[smem:$0x3FC2] =	sst s2  }
0x8f: {  	_ = 	snop  }
0x90: {  	s2 =	sld [smem:$0x3FD0];
	(tm) =	ssettm $0x1  }
0x91: {  	s18 =	sld [smem:$0x3FFB];
	_ =	sdelay $0x3  }
0x92: {  	_ =	strace s18  }
0x93: {  	s3 =	sld [smem:$0x3FFC];
	_ =	sdelay $0x3  }
0x94: {  	_ =	strace s3  }
0x95: {  	s3 =	sld [smem:$0x3FFD];
	_ =	sdelay $0x3  }
0x96: {  	_ =	strace s3  }
0x97: {  	_ =	strace $0x8FFFFFFF  }
0x98: {  	s19 =	sld [smem:$0x3FDB];
	_ =	sdelay $0x1  }
0x99: {  	s4 =	simm.s32 $_scs_section_size  }
0x9a: {  	s5 =	simm.s32 $_size__tile_overlayer_lowered;
	s6 =	simm.s32 $_tile_overlayer_lowered  }
0x9b: {  	s22 =	simm.s32 $0x1BFF;
	s21 =	sshll.u32 s6, $0x1;
	s3 =	sadd.s32 s4, s19  }
0x9c: {  	s7 =	simm.s32 $0x0;
	s20 =	sshll.u32 s5, $0x1;
	s5 =	sadd.s32 s21, s3  }
0x9d: {  	[timem:s7], [sflag:s22] =	dma.local [hbm:s5], s20  }
0x9e: {  	_ =	swait.ge [sflag:s22], s20  }
0x9f: {  	s4 =	ssub.s32 $0x0, s20;
	[sflag:s22] =	ssyncset.done $0x0  }
0xa0: {  	[sflag:s22] =	ssyncadd.s32 s4;
	_ =	sdelay $0x1  }
0xa1: {  	s23 =	simm.s32 $0x1B8B  }
0xa2: {  	_ =	swait.ge [sflag:s23], $0x1  }
0xa3: {  	[sflag:s23] =	ssyncset.done $0x0  }
0xa4: {  	s25 =	simm.s32 $0x1B8E;
	s24 =	sld [smem:$0x3FFE];
	[sflag:s23] =	ssyncadd.s32 $0xFFFFFFFF  }
0xa5: {  	s26 =	simm.s32 $execute0_lowered;
	[smem:$0x3FD2] =	sst s25  }
0xa6: {  	s5 =	sshll.u32 s26, $0x1;
	_ =	strace $0x80000046;
	[dreg:$0x1] =	wrdreg $0xFFFFFFFF  }
0xa7: {  	s28 =	simm.s32 $_size_execute0_lowered;
	s3 =	sadd.s32 s3, s5;
	[dreg:$0x0] =	wrdreg $0x0  }
0xa8: {  	s5 =	sshll.u32 s28, $0x1;
	[dreg:$0x2] =	wrdreg s3  }
0xa9: {  	[dreg:$0x3] =	wrdreg s5  }
0xaa: {  	[dreg:$0x4] =	wrdreg $0xC0  }
0xab: {  	_ =	task [dreg:s7], $0x5FFFF  }
0xac: {  	[dreg:$0x1] =	wrdreg $0xFFFFFFFF  }
0xad: {  	[dreg:$0x0] =	wrdreg $0x60  }
0xae: {  	[dreg:$0x2] =	wrdreg s24  }
0xaf: {  	[dreg:$0x3] =	wrdreg s2  }
0xb0: {  	[dreg:$0x4] =	wrdreg $0x9  }
0xb1: {  	_ =	task.clear_ibuf [dreg:s7], $0x5FFFF;
	_ =	strace $0x90000046  }
0xb2: {  	s29 =	simm.s32 $0x9;
	_ =	strace $0x80000048  }
0xb3: {  	_ =	swait.ge [sflag:s29], $0x1  }
0xb4: {  	[sflag:s29] =	ssyncadd.s32 $0xFFFFFFFF  }
0xb5: {  	_ =	strace $0x90000048  }
0xb6: {  	_ =	sfence  }
0xb7: {  	s30 =	sld [smem:$0x0];
	_ =	sdelay $0x2  }
0xb8: {  	s31 =	sshll.u32 s1, $0xD;
	s1 =	sshrl.u32 s1, $0x2  }
0xb9: {  	s3 =	sand.u32 $0x4000, s31;
	s1 =	sadd.s32 s1, s30  }
0xba: {  	s0 =	sor.u32 s3, s0;
	s1 =	sshll.u32 s1, $0x11  }
0xbb: {  	s0 =	sor.u32 s1, s0  }
0xbc: {  	s0 =	sadd.s32 $0x8F2B, s0  }
0xbd: {  	[sflag:s0] =	ssyncadd.remote.s32 $0x1  }
0xbe: {  	_ =	sfence.sel $0xFFFF  }
0xbf: {  	[dreg:$0x0] =	wrdreg $0xFFFFFFFF;
	(pc) =	sbr.abs _section_cstart, $3  }
0xc0: {  	[dreg:$0x1] =	wrdreg $0xFFFFFFFF  }
0xc1: {  	_ =	task.clear_ibuf [dreg:s7], $0x2FFFF;
	_ =	strace $0x9FFFFFFF  }
0xc2: {  	(tm) =	ssettm $0x7FFFFFFF  }
0xc3: {  	_ =	shalt  }
tec
execute0_lowered:
.L_overlay_start_1:
0x0: {  	(tag) =	ssettag $0x1  }
0x1: {  	s3 =	rddreg [dreg:$0x0];
	s1 =	srdreg.scid  }
0x2: {  	s0 =	stileid.u32;
	s5 =	rddreg [dreg:$0x1]  }
0x3: {  	s2 =	simm.s32 $0x0;
	s9 =	simm.s32 $0x2000;
	s10 =	simm.s32 $0x80  }
0x4: {  	s11 =	simm.s32 $0x5400;
	s12 =	simm.s32 $0x1;
	s13 =	simm.s32 $0x2  }
0x5: {  	s14 =	simm.s32 $0x8800;
	s4 =	sand.u32 $0x1, s1;
	s1 =	rddreg [dreg:$0x2]  }
0x6: {  	s15 =	simm.s32 $0x0;
	s6 =	sshll.u32 s0, $0x1;
	[smem:$0x7FF] =	sst s2  }
.Ltmp0:
0x7: {  	s6 =	sor.u32 s4, s6;
	s4 =	ssub.s32 $0x2, s4;
	(pc) =	sbr.rel .LBB2_1-.Ltmp0, $4  }
0x8: {  	_ =	strace $0x80000047;
	s7 =	sshll.u32 s6, $0xA;
	s8 =	sshrl.u32 s4, $0x1  }
0x9: {  	s6 =	sshll.u32 s6, $0xB;
	s7 =	sadd.s32 s7, s3;
	s3 =	sadd.s32 $0x1000, s3  }
0xa: {  	s8 =	ssub.s32 s4, s8;
	s5 =	sadd.s32 s5, s6;
	s4 =	sadd.s32 $0xF43400, s7  }
0xb: {  	s6 =	smax.u32 s8, $0x1;
	s7 =	simm.s32 $0x3;
	s8 =	simm.s32 $0x64  }
.LBB2_8:
0xc: {  	s15 =	sadd.s32 $0x1, s15  }
0xd: {  	p0 =	sne.s32 s15, s6  }
.Ltmp1:
0xe: {  	_ = 	snop;
	(pc) =	sbr.rel @!p0 .LBB2_9-.Ltmp1, $4  }
0xf: {  	[hbm4b:s5+s2] =	stream.linear.scatter [tilespmem:s14], [sflag:$0x3], $0x4000, $0x38;
	[tilespmem:$0xC800] =	vst v63  }
0x10: {  	_ =	swait.ge [sflag:s7], $0x4000  }
0x11: {  	[sflag:s7] =	ssyncset.done $0x0  }
0x12: {  	[sflag:s7] =	ssyncadd.s32 $0xFFFFC000  }
.LBB2_1:
0x13: {  	[tilespmem:s2], [sflag:$0x3] =	stream.linear.gather [hbm4b:s4+s2], $0x2000, $0x38;
	[tilespmem:$0xC800] =	vst v63  }
0x14: {  	_ =	swait.ge [sflag:s7], $0x2000  }
0x15: {  	[sflag:s7] =	ssyncset.done $0x0  }
0x16: {  	[sflag:s7] =	ssyncadd.s32 $0xFFFFE000  }
0x17: {  	[tilespmem:s9], [sflag:$0x1] =	stream.indirect.gather [hbm4b:s3+s8], $0x80, s2, s8, $0xb8;
	[tilespmem:$0xC800] =	vst v63  }
0x18: {  	s16 =	simm.s32 $0x0  }
0x19: {  	[tilespmem:s11], [sflag:$0x2] =	stream.indirect.gather [hbm4b:s3+s8], $0x80, s10, s8, $0xb8;
	[tilespmem:$0xC800] =	vst v63  }
.LBB2_2:
0x1a: {  	_ =	swait.ge [sflag:s12], $0x3200  }
0x1b: {  	[sflag:s12] =	ssyncset.done $0x0  }
0x1c: {  	s17 =	simm.s32 $0x80;
	[sflag:s12] =	ssyncadd.s32 $0xFFFFCE00  }
0x1d: {  	v4 =	vld [tilespmem:s17+$0x2000]  }
0x1e: {  	v5 =	vld [tilespmem:s17+$0x2010]  }
0x1f: {  	v2 =	vld [tilespmem:s17+$0x2020]  }
0x20: {  	v3 =	vld [tilespmem:s17+$0x2030]  }
0x21: {  	v0 =	vld [tilespmem:s17+$0x3900]  }
0x22: {  	v1 =	vld [tilespmem:s17+$0x3910]  }
0x23: {  	v19 =	vld [tilespmem:s17+$0x1F80]  }
0x24: {  	v20 =	vld [tilespmem:s17+$0x1F90]  }
0x25: {  	v17 =	vld [tilespmem:s17+$0x1FA0]  }
0x26: {  	v18 =	vld [tilespmem:s17+$0x1FB0]  }
0x27: {  	v10 =	vimm.f32 $0.0e+00;
	v11 =	vimm.f32 $0.0e+00;
	v16 =	vld [tilespmem:s17+$0x3880]  }
0x28: {  	v13 =	vimm.f32 $0.0e+00;
	v12 =	vimm.f32 $0.0e+00;
	v9 =	vimm.f32 $0.0e+00;
	v14 =	vld [tilespmem:s17+$0x3890]  }
0x29: {  	s18 =	simm.s32 $0x600;
	v8 =	vimm.f32 $0.0e+00;
	v7 =	vimm.f32 $0.0e+00;
	v6 =	vimm.f32 $0.0e+00;
	v15 =	vld [tilespmem:s17+$0x38A0]  }
.LBB2_3:
0x2a: {  	p0 =	sne.s32 s18, $0x6200;
	v10 =	vadd.f32 v19, v10;
	v11 =	vadd.f32 v20, v11;
	v19 =	vld [tilespmem:s17+$0x38B0]  }
0x2b: {  	v13 =	vadd.f32 v17, v13;
	v12 =	vadd.f32 v18, v12;
	v17 =	vld [tilespmem:s17+$0x3920]  }
0x2c: {  	v10 =	vadd.f32 v4, v10;
	v11 =	vadd.f32 v5, v11;
	v18 =	vld [tilespmem:s17+$0x3930];
	s17 =	sshra.s32 s18, $0x2  }
0x2d: {  	v13 =	vadd.f32 v2, v13;
	v4 =	vld [tilespmem:s17+$0x2000];
	v12 =	vadd.f32 v3, v12  }
0x2e: {  	v9 =	vadd.f32 v16, v9;
	v8 =	vadd.f32 v14, v8;
	v5 =	vld [tilespmem:s17+$0x2010]  }
0x2f: {  	v7 =	vadd.f32 v15, v7;
	v2 =	vld [tilespmem:s17+$0x2020];
	v6 =	vadd.f32 v19, v6  }
0x30: {  	v9 =	vadd.f32 v0, v9;
	v8 =	vadd.f32 v1, v8;
	v3 =	vld [tilespmem:s17+$0x2030]  }
0x31: {  	v7 =	vadd.f32 v17, v7;
	v0 =	vld [tilespmem:s17+$0x3900];
	v6 =	vadd.f32 v18, v6  }
0x32: {  	v1 =	vld [tilespmem:s17+$0x3910]  }
0x33: {  	v19 =	vld [tilespmem:s17+$0x1F80]  }
0x34: {  	v20 =	vld [tilespmem:s17+$0x1F90]  }
.Ltmp2:
0x35: {  	v17 =	vld [tilespmem:s17+$0x1FA0];
	(pc) =	sbr.rel @p0 .LBB2_3-.Ltmp2, $4  }
0x36: {  	v18 =	vld [tilespmem:s17+$0x1FB0]  }
0x37: {  	v16 =	vld [tilespmem:s17+$0x3880]  }
0x38: {  	v14 =	vld [tilespmem:s17+$0x3890]  }
0x39: {  	s18 =	sadd.s32 $0x400, s18;
	v15 =	vld [tilespmem:s17+$0x38A0]  }
0x3a: {  	v10 =	vadd.f32 v19, v10  }
0x3b: {  	v11 =	vadd.f32 v20, v11  }
0x3c: {  	v19 =	vld [tilespmem:s17+$0x38B0];
	v13 =	vadd.f32 v17, v13;
	v4 =	vadd.f32 v4, v10  }
0x3d: {  	v10 =	vadd.f32 v18, v12;
	v12 =	vld [tilespmem:s17+$0x3920];
	v5 =	vadd.f32 v5, v11  }
0x3e: {  	s31 =	sshll.u32 s16, $0xB;
	v11 =	vld [tilespmem:s17+$0x3930];
	v2 =	vadd.f32 v2, v13;
	v9 =	vadd.f32 v16, v9;
	v4 =	vmul.f32 $1.999999960e-02, v4  }
0x3f: {  	s17 =	sshra.s32 s31, $0x2;
	v8 =	vadd.f32 v14, v8;
	v3 =	vadd.f32 v3, v10;
	v5 =	vmul.f32 $1.999999960e-02, v5  }
0x40: {  	v7 =	vadd.f32 v15, v7;
	v0 =	vadd.f32 v0, v9;
	v2 =	vmul.f32 $1.999999960e-02, v2;
	[tilespmem:s17+$0x8800] =	vst v4  }
0x41: {  	v1 =	vadd.f32 v1, v8;
	v4 =	vadd.f32 v19, v6;
	[tilespmem:s17+$0x8810] =	vst v5;
	v3 =	vmul.f32 $1.999999960e-02, v3  }
0x42: {  	[tilespmem:s17+$0x8820] =	vst v2;
	v0 =	vmul.f32 $1.999999960e-02, v0;
	v5 =	vadd.f32 v12, v7  }
0x43: {  	v1 =	vmul.f32 $1.999999960e-02, v1;
	v2 =	vadd.f32 v11, v4;
	[tilespmem:s17+$0x8830] =	vst v3  }
0x44: {  	p0 =	seq.s32 s16, $0x1F;
	[tilespmem:s17+$0x8880] =	vst v0;
	v0 =	vmul.f32 $1.999999960e-02, v5  }
0x45: {  	s18 =	sshll.u32 @!p0 s16, $0x8;
	[tilespmem:s17+$0x8890] =	vst v1;
	v1 =	vmul.f32 $1.999999960e-02, v2  }
0x46: {  	s18 =	sand.u32 @!p0 $0x3FFFFF00, s18;
	[tilespmem:s17+$0x88A0] =	vst v0  }
0x47: {  	s19 =	simm.s32 @!p0 $0x64;
	s20 =	simm.s32 @!p0 $0x2000;
	s18 =	sadd.s32 @!p0 $0x100, s18;
	[tilespmem:s17+$0x88B0] =	vst v1  }
0x48: {  	[tilespmem:s20], [sflag:$0x1] =	stream.indirect.gather @!p0 [hbm4b:s3+s19], $0x80, s18, s19, $0xb8;
	[tilespmem:$0xC800] =	vst v63  }
0x49: {  	_ =	swait.ge [sflag:s13], $0x3200  }
0x4a: {  	[sflag:s13] =	ssyncset.done $0x0  }
0x4b: {  	s18 =	simm.s32 $0x80;
	[sflag:s13] =	ssyncadd.s32 $0xFFFFCE00  }
0x4c: {  	v3 =	vld [tilespmem:s18+$0x5400]  }
0x4d: {  	v5 =	vld [tilespmem:s18+$0x5410]  }
0x4e: {  	v2 =	vld [tilespmem:s18+$0x5420]  }
0x4f: {  	v4 =	vld [tilespmem:s18+$0x5430]  }
0x50: {  	v0 =	vld [tilespmem:s18+$0x6D00]  }
0x51: {  	v1 =	vld [tilespmem:s18+$0x6D10]  }
0x52: {  	v19 =	vld [tilespmem:s18+$0x5380]  }
0x53: {  	v20 =	vld [tilespmem:s18+$0x5390]  }
0x54: {  	v17 =	vld [tilespmem:s18+$0x53A0]  }
0x55: {  	v18 =	vld [tilespmem:s18+$0x53B0]  }
0x56: {  	v13 =	vimm.f32 $0.0e+00;
	v10 =	vimm.f32 $0.0e+00;
	v14 =	vld [tilespmem:s18+$0x6C80]  }
0x57: {  	v9 =	vimm.f32 $0.0e+00;
	v8 =	vimm.f32 $0.0e+00;
	v6 =	vimm.f32 $0.0e+00;
	v15 =	vld [tilespmem:s18+$0x6C90]  }
0x58: {  	v12 =	vimm.f32 $0.0e+00;
	v7 =	vimm.f32 $0.0e+00;
	v11 =	vimm.f32 $0.0e+00;
	s19 =	simm.s32 $0x600;
	v16 =	vld [tilespmem:s18+$0x6CA0]  }
.LBB2_5:
0x59: {  	p1 =	sne.s32 s19, $0x6200;
	v10 =	vadd.f32 v19, v10;
	v11 =	vadd.f32 v20, v11;
	v19 =	vld [tilespmem:s18+$0x6CB0]  }
0x5a: {  	v13 =	vadd.f32 v17, v13;
	v12 =	vadd.f32 v18, v12;
	v17 =	vld [tilespmem:s18+$0x6D20]  }
0x5b: {  	v10 =	vadd.f32 v3, v10;
	v11 =	vadd.f32 v5, v11;
	v18 =	vld [tilespmem:s18+$0x6D30];
	s18 =	sshra.s32 s19, $0x2  }
0x5c: {  	v13 =	vadd.f32 v2, v13;
	v3 =	vld [tilespmem:s18+$0x5400];
	v12 =	vadd.f32 v4, v12  }
0x5d: {  	v8 =	vadd.f32 v14, v8;
	v9 =	vadd.f32 v15, v9;
	v5 =	vld [tilespmem:s18+$0x5410]  }
0x5e: {  	v7 =	vadd.f32 v16, v7;
	v2 =	vld [tilespmem:s18+$0x5420];
	v6 =	vadd.f32 v19, v6  }
0x5f: {  	v8 =	vadd.f32 v0, v8;
	v9 =	vadd.f32 v1, v9;
	v4 =	vld [tilespmem:s18+$0x5430]  }
0x60: {  	v7 =	vadd.f32 v17, v7;
	v0 =	vld [tilespmem:s18+$0x6D00];
	v6 =	vadd.f32 v18, v6  }
0x61: {  	v1 =	vld [tilespmem:s18+$0x6D10]  }
0x62: {  	v19 =	vld [tilespmem:s18+$0x5380]  }
0x63: {  	v20 =	vld [tilespmem:s18+$0x5390]  }
.Ltmp3:
0x64: {  	v17 =	vld [tilespmem:s18+$0x53A0];
	(pc) =	sbr.rel @p1 .LBB2_5-.Ltmp3, $4  }
0x65: {  	v18 =	vld [tilespmem:s18+$0x53B0]  }
0x66: {  	v14 =	vld [tilespmem:s18+$0x6C80]  }
0x67: {  	v15 =	vld [tilespmem:s18+$0x6C90]  }
0x68: {  	s19 =	sadd.s32 $0x400, s19;
	v16 =	vld [tilespmem:s18+$0x6CA0]  }
0x69: {  	v10 =	vadd.f32 v19, v10  }
0x6a: {  	v11 =	vadd.f32 v20, v11  }
0x6b: {  	v55 =	vld [tilespmem:s18+$0x6CB0];
	v13 =	vadd.f32 v17, v13;
	v3 =	vadd.f32 v3, v10  }
0x6c: {  	v57 =	vld [tilespmem:s18+$0x6D20];
	v56 =	vadd.f32 v18, v12;
	v5 =	vadd.f32 v5, v11  }
0x6d: {  	v58 =	vld [tilespmem:s18+$0x6D30];
	v2 =	vadd.f32 v2, v13;
	v8 =	vadd.f32 v14, v8;
	v3 =	vmul.f32 $1.999999960e-02, v3  }
0x6e: {  	v4 =	vadd.f32 v4, v56;
	v9 =	vadd.f32 v15, v9;
	v5 =	vmul.f32 $1.999999960e-02, v5  }
0x6f: {  	v7 =	vadd.f32 v16, v7;
	v0 =	vadd.f32 v0, v8;
	v2 =	vmul.f32 $1.999999960e-02, v2;
	[tilespmem:s17+$0x8900] =	vst v3  }
0x70: {  	v59 =	vadd.f32 v55, v6;
	v1 =	vadd.f32 v1, v9;
	v4 =	vmul.f32 $1.999999960e-02, v4;
	[tilespmem:s17+$0x8910] =	vst v5  }
0x71: {  	v60 =	vadd.f32 v57, v7;
	[tilespmem:s17+$0x8920] =	vst v2;
	v0 =	vmul.f32 $1.999999960e-02, v0  }
.Ltmp4:
0x72: {  	v61 =	vadd.f32 v58, v59;
	[tilespmem:s17+$0x8930] =	vst v4;
	v1 =	vmul.f32 $1.999999960e-02, v1;
	(pc) =	sbr.rel @p0 .LBB2_8-.Ltmp4, $4  }
0x73: {  	[tilespmem:s17+$0x8980] =	vst v0;
	v62 =	vmul.f32 $1.999999960e-02, v60  }
0x74: {  	[tilespmem:s17+$0x8990] =	vst v1;
	v63 =	vmul.f32 $1.999999960e-02, v61  }
0x75: {  	[tilespmem:s17+$0x89A0] =	vst v62  }
0x76: {  	[tilespmem:s17+$0x89B0] =	vst v63  }
.Ltmp5:
0x77: {  	(pc) =	sbr.rel .LBB2_2-.Ltmp5, $4  }
0x78: {  	s17 =	sshll.u32 s16, $0x8  }
0x79: {  	s17 =	sand.u32 $0x3FFFFF00, s17  }
0x7a: {  	s16 =	sadd.s32 $0x1, s16;
	s17 =	sadd.s32 $0x180, s17  }
0x7b: {  	[tilespmem:s11], [sflag:$0x2] =	stream.indirect.gather [hbm4b:s3+s8], $0x80, s17, s8, $0xb8;
	[tilespmem:$0xC800] =	vst v63  }
.LBB2_9:
0x7c: {  	_ =	sfence.sel $0x180000  }
0x7d: {  	[bflag:$0x0] =	sbarrier.arrive $0xFFFF  }
0x7e: {  	p0 =	sne.s32 s0, $0x0;
	_ =	strace $0x90000047  }
0x7f: {  	s0 =	sadd.s32 @!p0 $0x100000, s1;
	[bflag:$0x2] =	sbarrier.arrive $0xFFFF  }
0x80: {  	[sflag:s0] =	ssyncadd.tile.s32 @!p0 $0x1;
	_ =	shalt  }
.Lfunc_end2:
_tile_overlayer_lowered:
.L_overlay_start_2:
0x81: {  	(tag) =	ssettag $0x2  }
0x82: {  	s0 =	rddreg [dreg:$0x0];
	s2 =	stileid.u32  }
0x83: {  	s1 =	rddreg [dreg:$0x1];
	p0 =	sne.s32 s2, $0x0  }
0x84: {  	s3 =	rddreg [dreg:$0x2];
	[bflag:$0x3] =	sbarrier.arrive $0xFFFF;
	s2 =	simm.s32 @!p0 $0x1C03  }
0x85: {  	[timem:s3], [sflag:s2] =	dma.local @!p0 [hbm:s0], s1  }
0x86: {  	s0 =	simm.s32 @!p0 $0x3  }
0x87: {  	_ =	swait.ge @!p0 [sflag:s0], s1  }
0x88: {  	s1 =	ssub.s32 @!p0 $0x0, s1;
	[sflag:s0] =	ssyncset.done @!p0 $0x0  }
0x89: {  	[sflag:s0] =	ssyncadd.s32 @!p0 s1  }
0x8a: {  	[bflag:$0x3] =	sbarrier.arrive $0xFFFF  }
0x8b: {  	_ =	shalt  }

</sc_bundles>
